<compile_context>
chip_gen: v7x
topology: tpu7x:2x2x1
jax: 0.10.2.dev20260603
libtpu: 0.0.44.dev20260713+nightly
codegen_flags: <defaults>
</compile_context>

<pallas_src>
import functools

import jax
import jax.numpy as jnp
from jax import lax
from jax.experimental import pallas as pl
from jax.experimental.pallas import tpu as pltpu
from jax.experimental.pallas import tpu_sc as plsc

B, L = 4096, 200
V, D = 100000, 2
N = B * L
NC, NS = 2, 16
PER_S = N // NS
NP = 10
P = PER_S // NP
GRP = P // 16


def _make_kernel():
    mesh = plsc.VectorSubcoreMesh(core_axis_name="c", subcore_axis_name="s")

    @functools.partial(
        pl.kernel,
        out_type=jax.ShapeDtypeStruct((NC, N), jnp.float32),
        mesh=mesh,
        scratch_types=[
            pltpu.VMEM((V,), jnp.float32),
            pltpu.VMEM((P,), jnp.int32),
            pltpu.VMEM((P,), jnp.int32),
            pltpu.VMEM((P,), jnp.float32),
            pltpu.VMEM((P,), jnp.float32),
            pltpu.SemaphoreType.DMA,
            pltpu.SemaphoreType.DMA,
        ],
        compiler_params=pltpu.CompilerParams(needs_layout_passes=False),
    )
    def k(x_hbm, wt_hbm, out_hbm, col_v, idx0, idx1, val0, val1, sem_i, sem_o):
        c = lax.axis_index("c")
        s = lax.axis_index("s")
        idx_bufs = (idx0, idx1)
        val_bufs = (val0, val1)
        first_idx = pltpu.async_copy(x_hbm.at[s, 0], idx0, sem_i)
        pltpu.sync_copy(wt_hbm.at[c], col_v)

        idx_cps = [first_idx]
        out_cps = []
        for p in range(NP):
            cur = p % 2
            if p + 1 < NP:
                idx_cps.append(
                    pltpu.async_copy(x_hbm.at[s, p + 1], idx_bufs[1 - cur], sem_i)
                )
            idx_cps[p].wait()
            if p >= 2:
                out_cps[p - 2].wait()

            ib = idx_bufs[cur]
            vb = val_bufs[cur]

            def gather_block(i, _):
                for u in range(8):
                    o = i * 128 + u * 16
                    vb[pl.ds(o, 16)] = plsc.load_gather(col_v, [ib[pl.ds(o, 16)]])
                return 0

            lax.fori_loop(0, GRP // 8, gather_block, 0)
            base = s * PER_S + p * P
            out_cps.append(
                pltpu.async_copy(vb, out_hbm.at[c, pl.ds(base, P)], sem_o)
            )
        out_cps[NP - 2].wait()
        out_cps[NP - 1].wait()

    return k


_gather = _make_kernel()


def kernel(x, W):
    xr = x.reshape(NS, NP, P)
    wt = W.T.reshape(NC, V)
    out = _gather(xr, wt)
    return out.T.reshape(B, L, D)

# --- scband reference (transcript-rebuilt; emitter-appended) ---
"""Pipeline reference for scband-riemannian-embedding-67164698575427 (READ-ONLY COPY).

The authoritative reference and input builder live on the scoring server;
editing this copy changes nothing except your own understanding.
"""

import jax, jax.numpy as jnp
import numpy as np

N_EXEMPLE = 100000
EMBED_DIM = 2  # hardcoded in RiemannianEmbedding: PoincareEmbedding(n_exemple, 2)


def setup_inputs(seed: int = 0) -> dict:
    key = jax.random.key(seed)
    k1, k2 = jax.random.split(key)
    # indices into the Poincare embedding table
    x = jax.random.randint(k1, (4096, 200), 0, N_EXEMPLE, dtype=jnp.int64 if jax.config.jax_enable_x64 else jnp.int32).astype(jnp.int32)
    # Poincare embeddings are initialized to small uniform values so points
    # start near the origin of the Poincare ball.
    W = jax.random.uniform(k2, (N_EXEMPLE, EMBED_DIM), dtype=jnp.float32, minval=-1e-3, maxval=1e-3)
    return {"x": x, "W": W}


def reference(x, W):
    # forward(x) = self.W(x): embedding table lookup
    out = jnp.take(W, x, axis=0)  # [B, L, EMBED_DIM]
    return out

if __name__ == "__main__":
    import jax
    _d = setup_inputs()
    print(jax.jit(kernel)(*tuple(_d.values())))

</pallas_src>

<mosaic_0001>
#map = affine_map<(d0, d1) -> (0, 0, 0)>
#map1 = affine_map<(d0, d1) -> (0, 0)>
module attributes {stable_mosaic.version = 14 : i64} {
  func.func @k(%arg0: i32, %arg1: i32, %arg2: memref<16x10x5120xi32, #tpu.memory_space<hbm>>, %arg3: memref<2x100000xf32, #tpu.memory_space<hbm>>, %arg4: memref<2x819200xf32, #tpu.memory_space<hbm>>, %arg5: memref<100000xf32, #tpu.memory_space<vmem>>, %arg6: memref<5120xi32, #tpu.memory_space<vmem>>, %arg7: memref<5120xi32, #tpu.memory_space<vmem>>, %arg8: memref<5120xf32, #tpu.memory_space<vmem>>, %arg9: memref<5120xf32, #tpu.memory_space<vmem>>, %arg10: memref<!tpu.dma_semaphore, #tpu.memory_space<semaphore_mem>>, %arg11: memref<!tpu.dma_semaphore, #tpu.memory_space<semaphore_mem>>) attributes {dimension_semantics = [#tpu.dimension_semantics<core_parallel>, #tpu.dimension_semantics<subcore_parallel>], iteration_bounds = array<i64: 2, 16>, scalar_prefetch = 0 : i64, scratch_operands = 7 : i64, tpu.core_type = #tpu.core_type<sc_vector_subcore>, window_params = [{transform_indices = #map}, {transform_indices = #map1}, {transform_indices = #map1}]} {
    %dma_start3A = arith.constant 0 : i32
    %dma_start3A_0 = arith.constant 0 : i32
    %dma_start3A_1 = tpu.memref_slice %arg2[%arg1, %dma_start3A, %dma_start3A_0] : memref<16x10x5120xi32, #tpu.memory_space<hbm>> -> memref<1x1x5120xi32, #tpu.memory_space<hbm>>
    %dma_start3A_2 = tpu.memref_squeeze %dma_start3A_1 : memref<1x1x5120xi32, #tpu.memory_space<hbm>> -> memref<5120xi32, #tpu.memory_space<hbm>>
    %dma_start3A_3 = arith.constant 0 : i32
    %dma_start3A_4 = tpu.memref_slice %arg2[%arg1, %dma_start3A, %dma_start3A_3] : memref<16x10x5120xi32, #tpu.memory_space<hbm>> -> memref<1x1x5120xi32, #tpu.memory_space<hbm>>
    %dma_start3A_5 = tpu.memref_squeeze %dma_start3A_4 : memref<1x1x5120xi32, #tpu.memory_space<hbm>> -> memref<5120xi32, #tpu.memory_space<hbm>>
    tpu.enqueue_dma source(%dma_start3A_5 : memref<5120xi32, #tpu.memory_space<hbm>>) target(%arg6 : memref<5120xi32, #tpu.memory_space<vmem>>) target_semaphore(%arg10 : memref<!tpu.dma_semaphore, #tpu.memory_space<semaphore_mem>>)
    "tpu.region"() ({
      %run_scoped3A = tpu.sem_alloc : memref<!tpu.dma_semaphore, #tpu.memory_space<semaphore_mem>>
      %dma_start3A_325 = arith.constant 0 : i32
      %dma_start3A_326 = tpu.memref_slice %arg3[%arg0, %dma_start3A_325] : memref<2x100000xf32, #tpu.memory_space<hbm>> -> memref<1x100000xf32, #tpu.memory_space<hbm>>
      %dma_start3A_327 = tpu.memref_squeeze %dma_start3A_326 : memref<1x100000xf32, #tpu.memory_space<hbm>> -> memref<100000xf32, #tpu.memory_space<hbm>>
      %dma_start3A_328 = arith.constant 0 : i32
      %dma_start3A_329 = tpu.memref_slice %arg3[%arg0, %dma_start3A_328] : memref<2x100000xf32, #tpu.memory_space<hbm>> -> memref<1x100000xf32, #tpu.memory_space<hbm>>
      %dma_start3A_330 = tpu.memref_squeeze %dma_start3A_329 : memref<1x100000xf32, #tpu.memory_space<hbm>> -> memref<100000xf32, #tpu.memory_space<hbm>>
      tpu.enqueue_dma source(%dma_start3A_330 : memref<100000xf32, #tpu.memory_space<hbm>>) target(%arg5 : memref<100000xf32, #tpu.memory_space<vmem>>) target_semaphore(%run_scoped3A : memref<!tpu.dma_semaphore, #tpu.memory_space<semaphore_mem>>)
      %dma_wait3A_331 = arith.constant 0 : i32
      %dma_wait3A_332 = tpu.memref_slice %arg3[%arg0, %dma_wait3A_331] : memref<2x100000xf32, #tpu.memory_space<hbm>> -> memref<1x100000xf32, #tpu.memory_space<hbm>>
      %dma_wait3A_333 = tpu.memref_squeeze %dma_wait3A_332 : memref<1x100000xf32, #tpu.memory_space<hbm>> -> memref<100000xf32, #tpu.memory_space<hbm>>
      %dma_wait3A_334 = arith.constant 0 : i32
      %dma_wait3A_335 = tpu.memref_slice %arg3[%arg0, %dma_wait3A_334] : memref<2x100000xf32, #tpu.memory_space<hbm>> -> memref<1x100000xf32, #tpu.memory_space<hbm>>
      %dma_wait3A_336 = tpu.memref_squeeze %dma_wait3A_335 : memref<1x100000xf32, #tpu.memory_space<hbm>> -> memref<100000xf32, #tpu.memory_space<hbm>>
      tpu.wait_dma2 semaphore(%run_scoped3A : memref<!tpu.dma_semaphore, #tpu.memory_space<semaphore_mem>>) src(%dma_wait3A_336 : memref<100000xf32, #tpu.memory_space<hbm>>) dst(%arg5 : memref<100000xf32, #tpu.memory_space<vmem>>)
      tpu.yield
    }) : () -> ()
    %dma_start3A_6 = arith.constant 1 : i32
    %dma_start3A_7 = arith.constant 0 : i32
    %dma_start3A_8 = tpu.memref_slice %arg2[%arg1, %dma_start3A_6, %dma_start3A_7] : memref<16x10x5120xi32, #tpu.memory_space<hbm>> -> memref<1x1x5120xi32, #tpu.memory_space<hbm>>
    %dma_start3A_9 = tpu.memref_squeeze %dma_start3A_8 : memref<1x1x5120xi32, #tpu.memory_space<hbm>> -> memref<5120xi32, #tpu.memory_space<hbm>>
    %dma_start3A_10 = arith.constant 0 : i32
    %dma_start3A_11 = tpu.memref_slice %arg2[%arg1, %dma_start3A_6, %dma_start3A_10] : memref<16x10x5120xi32, #tpu.memory_space<hbm>> -> memref<1x1x5120xi32, #tpu.memory_space<hbm>>
    %dma_start3A_12 = tpu.memref_squeeze %dma_start3A_11 : memref<1x1x5120xi32, #tpu.memory_space<hbm>> -> memref<5120xi32, #tpu.memory_space<hbm>>
    tpu.enqueue_dma source(%dma_start3A_12 : memref<5120xi32, #tpu.memory_space<hbm>>) target(%arg7 : memref<5120xi32, #tpu.memory_space<vmem>>) target_semaphore(%arg10 : memref<!tpu.dma_semaphore, #tpu.memory_space<semaphore_mem>>)
    %dma_wait3A = arith.constant 0 : i32
    %dma_wait3A_13 = arith.constant 0 : i32
    %dma_wait3A_14 = tpu.memref_slice %arg2[%arg1, %dma_wait3A, %dma_wait3A_13] : memref<16x10x5120xi32, #tpu.memory_space<hbm>> -> memref<1x1x5120xi32, #tpu.memory_space<hbm>>
    %dma_wait3A_15 = tpu.memref_squeeze %dma_wait3A_14 : memref<1x1x5120xi32, #tpu.memory_space<hbm>> -> memref<5120xi32, #tpu.memory_space<hbm>>
    %dma_wait3A_16 = arith.constant 0 : i32
    %dma_wait3A_17 = tpu.memref_slice %arg2[%arg1, %dma_wait3A, %dma_wait3A_16] : memref<16x10x5120xi32, #tpu.memory_space<hbm>> -> memref<1x1x5120xi32, #tpu.memory_space<hbm>>
    %dma_wait3A_18 = tpu.memref_squeeze %dma_wait3A_17 : memref<1x1x5120xi32, #tpu.memory_space<hbm>> -> memref<5120xi32, #tpu.memory_space<hbm>>
    tpu.wait_dma2 semaphore(%arg10 : memref<!tpu.dma_semaphore, #tpu.memory_space<semaphore_mem>>) src(%dma_wait3A_18 : memref<5120xi32, #tpu.memory_space<hbm>>) dst(%arg6 : memref<5120xi32, #tpu.memory_space<vmem>>)
    %scan3A = arith.constant 0 : i32
    %scan3A_19 = arith.constant 0 : i32
    %scan3A_20 = arith.constant 40 : i32
    %scan3A_21 = arith.addi %scan3A_19, %scan3A_20 : i32
    %scan3A_22 = arith.constant 1 : i32
    %scan3A_23 = scf.for %scan3A_325 = %scan3A_19 to %scan3A_21 step %scan3A_22 iter_args(%scan3A_326 = %scan3A) -> (i32)  : i32 {
      %mul3A_327 = arith.constant 128 : i32
      %mul3A_328 = arith.muli %scan3A_325, %mul3A_327 : i32
      %add3A_329 = arith.constant 0 : i32
      %add3A_330 = arith.addi %mul3A_328, %add3A_329 : i32
      %get3A = arith.index_cast %add3A_330 : i32 to index
      %get3A_331 = tpu.vector_load %arg6[%get3A] {strides = array<i32>} : memref<5120xi32, #tpu.memory_space<vmem>>, vector<16xi32>,
      %gather3A = tpu.vector_load_idx %arg5[%get3A_331] : memref<100000xf32, #tpu.memory_space<vmem>>[vector<16xi32>], vector<16xf32>,
      %swap3A = arith.index_cast %add3A_330 : i32 to index
      %swap3A_332 = tpu.vector_load %arg8[%swap3A] {strides = array<i32>} : memref<5120xf32, #tpu.memory_space<vmem>>, vector<16xf32>,
      tpu.vector_store %arg8[%swap3A], %gather3A {strides = array<i32>} : memref<5120xf32, #tpu.memory_space<vmem>>, vector<16xf32>,
      %mul3A_333 = arith.constant 128 : i32
      %mul3A_334 = arith.muli %scan3A_325, %mul3A_333 : i32
      %add3A_335 = arith.constant 16 : i32
      %add3A_336 = arith.addi %mul3A_334, %add3A_335 : i32
      %get3A_337 = arith.index_cast %add3A_336 : i32 to index
      %get3A_338 = tpu.vector_load %arg6[%get3A_337] {strides = array<i32>} : memref<5120xi32, #tpu.memory_space<vmem>>, vector<16xi32>,
      %gather3A_339 = tpu.vector_load_idx %arg5[%get3A_338] : memref<100000xf32, #tpu.memory_space<vmem>>[vector<16xi32>], vector<16xf32>,
      %swap3A_340 = arith.index_cast %add3A_336 : i32 to index
      %swap3A_341 = tpu.vector_load %arg8[%swap3A_340] {strides = array<i32>} : memref<5120xf32, #tpu.memory_space<vmem>>, vector<16xf32>,
      tpu.vector_store %arg8[%swap3A_340], %gather3A_339 {strides = array<i32>} : memref<5120xf32, #tpu.memory_space<vmem>>, vector<16xf32>,
      %mul3A_342 = arith.constant 128 : i32
      %mul3A_343 = arith.muli %scan3A_325, %mul3A_342 : i32
      %add3A_344 = arith.constant 32 : i32
      %add3A_345 = arith.addi %mul3A_343, %add3A_344 : i32
      %get3A_346 = arith.index_cast %add3A_345 : i32 to index
      %get3A_347 = tpu.vector_load %arg6[%get3A_346] {strides = array<i32>} : memref<5120xi32, #tpu.memory_space<vmem>>, vector<16xi32>,
      %gather3A_348 = tpu.vector_load_idx %arg5[%get3A_347] : memref<100000xf32, #tpu.memory_space<vmem>>[vector<16xi32>], vector<16xf32>,
      %swap3A_349 = arith.index_cast %add3A_345 : i32 to index
      %swap3A_350 = tpu.vector_load %arg8[%swap3A_349] {strides = array<i32>} : memref<5120xf32, #tpu.memory_space<vmem>>, vector<16xf32>,
      tpu.vector_store %arg8[%swap3A_349], %gather3A_348 {strides = array<i32>} : memref<5120xf32, #tpu.memory_space<vmem>>, vector<16xf32>,
      %mul3A_351 = arith.constant 128 : i32
      %mul3A_352 = arith.muli %scan3A_325, %mul3A_351 : i32
      %add3A_353 = arith.constant 48 : i32
      %add3A_354 = arith.addi %mul3A_352, %add3A_353 : i32
      %get3A_355 = arith.index_cast %add3A_354 : i32 to index
      %get3A_356 = tpu.vector_load %arg6[%get3A_355] {strides = array<i32>} : memref<5120xi32, #tpu.memory_space<vmem>>, vector<16xi32>,
      %gather3A_357 = tpu.vector_load_idx %arg5[%get3A_356] : memref<100000xf32, #tpu.memory_space<vmem>>[vector<16xi32>], vector<16xf32>,
      %swap3A_358 = arith.index_cast %add3A_354 : i32 to index
      %swap3A_359 = tpu.vector_load %arg8[%swap3A_358] {strides = array<i32>} : memref<5120xf32, #tpu.memory_space<vmem>>, vector<16xf32>,
      tpu.vector_store %arg8[%swap3A_358], %gather3A_357 {strides = array<i32>} : memref<5120xf32, #tpu.memory_space<vmem>>, vector<16xf32>,
      %mul3A_360 = arith.constant 128 : i32
      %mul3A_361 = arith.muli %scan3A_325, %mul3A_360 : i32
      %add3A_362 = arith.constant 64 : i32
      %add3A_363 = arith.addi %mul3A_361, %add3A_362 : i32
      %get3A_364 = arith.index_cast %add3A_363 : i32 to index
      %get3A_365 = tpu.vector_load %arg6[%get3A_364] {strides = array<i32>} : memref<5120xi32, #tpu.memory_space<vmem>>, vector<16xi32>,
      %gather3A_366 = tpu.vector_load_idx %arg5[%get3A_365] : memref<100000xf32, #tpu.memory_space<vmem>>[vector<16xi32>], vector<16xf32>,
      %swap3A_367 = arith.index_cast %add3A_363 : i32 to index
      %swap3A_368 = tpu.vector_load %arg8[%swap3A_367] {strides = array<i32>} : memref<5120xf32, #tpu.memory_space<vmem>>, vector<16xf32>,
      tpu.vector_store %arg8[%swap3A_367], %gather3A_366 {strides = array<i32>} : memref<5120xf32, #tpu.memory_space<vmem>>, vector<16xf32>,
      %mul3A_369 = arith.constant 128 : i32
      %mul3A_370 = arith.muli %scan3A_325, %mul3A_369 : i32
      %add3A_371 = arith.constant 80 : i32
      %add3A_372 = arith.addi %mul3A_370, %add3A_371 : i32
      %get3A_373 = arith.index_cast %add3A_372 : i32 to index
      %get3A_374 = tpu.vector_load %arg6[%get3A_373] {strides = array<i32>} : memref<5120xi32, #tpu.memory_space<vmem>>, vector<16xi32>,
      %gather3A_375 = tpu.vector_load_idx %arg5[%get3A_374] : memref<100000xf32, #tpu.memory_space<vmem>>[vector<16xi32>], vector<16xf32>,
      %swap3A_376 = arith.index_cast %add3A_372 : i32 to index
      %swap3A_377 = tpu.vector_load %arg8[%swap3A_376] {strides = array<i32>} : memref<5120xf32, #tpu.memory_space<vmem>>, vector<16xf32>,
      tpu.vector_store %arg8[%swap3A_376], %gather3A_375 {strides = array<i32>} : memref<5120xf32, #tpu.memory_space<vmem>>, vector<16xf32>,
      %mul3A_378 = arith.constant 128 : i32
      %mul3A_379 = arith.muli %scan3A_325, %mul3A_378 : i32
      %add3A_380 = arith.constant 96 : i32
      %add3A_381 = arith.addi %mul3A_379, %add3A_380 : i32
      %get3A_382 = arith.index_cast %add3A_381 : i32 to index
      %get3A_383 = tpu.vector_load %arg6[%get3A_382] {strides = array<i32>} : memref<5120xi32, #tpu.memory_space<vmem>>, vector<16xi32>,
      %gather3A_384 = tpu.vector_load_idx %arg5[%get3A_383] : memref<100000xf32, #tpu.memory_space<vmem>>[vector<16xi32>], vector<16xf32>,
      %swap3A_385 = arith.index_cast %add3A_381 : i32 to index
      %swap3A_386 = tpu.vector_load %arg8[%swap3A_385] {strides = array<i32>} : memref<5120xf32, #tpu.memory_space<vmem>>, vector<16xf32>,
      tpu.vector_store %arg8[%swap3A_385], %gather3A_384 {strides = array<i32>} : memref<5120xf32, #tpu.memory_space<vmem>>, vector<16xf32>,
      %mul3A_387 = arith.constant 128 : i32
      %mul3A_388 = arith.muli %scan3A_325, %mul3A_387 : i32
      %add3A_389 = arith.constant 112 : i32
      %add3A_390 = arith.addi %mul3A_388, %add3A_389 : i32
      %get3A_391 = arith.index_cast %add3A_390 : i32 to index
      %get3A_392 = tpu.vector_load %arg6[%get3A_391] {strides = array<i32>} : memref<5120xi32, #tpu.memory_space<vmem>>, vector<16xi32>,
      %gather3A_393 = tpu.vector_load_idx %arg5[%get3A_392] : memref<100000xf32, #tpu.memory_space<vmem>>[vector<16xi32>], vector<16xf32>,
      %swap3A_394 = arith.index_cast %add3A_390 : i32 to index
      %swap3A_395 = tpu.vector_load %arg8[%swap3A_394] {strides = array<i32>} : memref<5120xf32, #tpu.memory_space<vmem>>, vector<16xf32>,
      tpu.vector_store %arg8[%swap3A_394], %gather3A_393 {strides = array<i32>} : memref<5120xf32, #tpu.memory_space<vmem>>, vector<16xf32>,
      %scan3A_396 = arith.constant 0 : i32
      scf.yield %scan3A_396 : i32
    }
    %scan3A_24 = arith.constant 40 : i32
    %mul3A = arith.constant 51200 : i32
    %mul3A_25 = arith.muli %arg1, %mul3A : i32
    %add3A = arith.constant 0 : i32
    %add3A_26 = arith.addi %mul3A_25, %add3A : i32
    %dma_start3A_27 = tpu.memref_slice %arg4[%arg0, %add3A_26] : memref<2x819200xf32, #tpu.memory_space<hbm>> -> memref<1x5120xf32, #tpu.memory_space<hbm>>
    %dma_start3A_28 = tpu.memref_squeeze %dma_start3A_27 : memref<1x5120xf32, #tpu.memory_space<hbm>> -> memref<5120xf32, #tpu.memory_space<hbm>>
    %dma_start3A_29 = tpu.memref_slice %arg4[%arg0, %add3A_26] : memref<2x819200xf32, #tpu.memory_space<hbm>> -> memref<1x5120xf32, #tpu.memory_space<hbm>>
    %dma_start3A_30 = tpu.memref_squeeze %dma_start3A_29 : memref<1x5120xf32, #tpu.memory_space<hbm>> -> memref<5120xf32, #tpu.memory_space<hbm>>
    tpu.enqueue_dma source(%arg8 : memref<5120xf32, #tpu.memory_space<vmem>>) target(%dma_start3A_30 : memref<5120xf32, #tpu.memory_space<hbm>>) target_semaphore(%arg11 : memref<!tpu.dma_semaphore, #tpu.memory_space<semaphore_mem>>)
    %dma_start3A_31 = arith.constant 2 : i32
    %dma_start3A_32 = arith.constant 0 : i32
    %dma_start3A_33 = tpu.memref_slice %arg2[%arg1, %dma_start3A_31, %dma_start3A_32] : memref<16x10x5120xi32, #tpu.memory_space<hbm>> -> memref<1x1x5120xi32, #tpu.memory_space<hbm>>
    %dma_start3A_34 = tpu.memref_squeeze %dma_start3A_33 : memref<1x1x5120xi32, #tpu.memory_space<hbm>> -> memref<5120xi32, #tpu.memory_space<hbm>>
    %dma_start3A_35 = arith.constant 0 : i32
    %dma_start3A_36 = tpu.memref_slice %arg2[%arg1, %dma_start3A_31, %dma_start3A_35] : memref<16x10x5120xi32, #tpu.memory_space<hbm>> -> memref<1x1x5120xi32, #tpu.memory_space<hbm>>
    %dma_start3A_37 = tpu.memref_squeeze %dma_start3A_36 : memref<1x1x5120xi32, #tpu.memory_space<hbm>> -> memref<5120xi32, #tpu.memory_space<hbm>>
    tpu.enqueue_dma source(%dma_start3A_37 : memref<5120xi32, #tpu.memory_space<hbm>>) target(%arg6 : memref<5120xi32, #tpu.memory_space<vmem>>) target_semaphore(%arg10 : memref<!tpu.dma_semaphore, #tpu.memory_space<semaphore_mem>>)
    %dma_wait3A_38 = arith.constant 1 : i32
    %dma_wait3A_39 = arith.constant 0 : i32
    %dma_wait3A_40 = tpu.memref_slice %arg2[%arg1, %dma_wait3A_38, %dma_wait3A_39] : memref<16x10x5120xi32, #tpu.memory_space<hbm>> -> memref<1x1x5120xi32, #tpu.memory_space<hbm>>
    %dma_wait3A_41 = tpu.memref_squeeze %dma_wait3A_40 : memref<1x1x5120xi32, #tpu.memory_space<hbm>> -> memref<5120xi32, #tpu.memory_space<hbm>>
    %dma_wait3A_42 = arith.constant 0 : i32
    %dma_wait3A_43 = tpu.memref_slice %arg2[%arg1, %dma_wait3A_38, %dma_wait3A_42] : memref<16x10x5120xi32, #tpu.memory_space<hbm>> -> memref<1x1x5120xi32, #tpu.memory_space<hbm>>
    %dma_wait3A_44 = tpu.memref_squeeze %dma_wait3A_43 : memref<1x1x5120xi32, #tpu.memory_space<hbm>> -> memref<5120xi32, #tpu.memory_space<hbm>>
    tpu.wait_dma2 semaphore(%arg10 : memref<!tpu.dma_semaphore, #tpu.memory_space<semaphore_mem>>) src(%dma_wait3A_44 : memref<5120xi32, #tpu.memory_space<hbm>>) dst(%arg7 : memref<5120xi32, #tpu.memory_space<vmem>>)
    %scan3A_45 = arith.constant 0 : i32
    %scan3A_46 = arith.constant 0 : i32
    %scan3A_47 = arith.constant 40 : i32
    %scan3A_48 = arith.addi %scan3A_46, %scan3A_47 : i32
    %scan3A_49 = arith.constant 1 : i32
    %scan3A_50 = scf.for %scan3A_325 = %scan3A_46 to %scan3A_48 step %scan3A_49 iter_args(%scan3A_326 = %scan3A_45) -> (i32)  : i32 {
      %mul3A_327 = arith.constant 128 : i32
      %mul3A_328 = arith.muli %scan3A_325, %mul3A_327 : i32
      %add3A_329 = arith.constant 0 : i32
      %add3A_330 = arith.addi %mul3A_328, %add3A_329 : i32
      %get3A = arith.index_cast %add3A_330 : i32 to index
      %get3A_331 = tpu.vector_load %arg7[%get3A] {strides = array<i32>} : memref<5120xi32, #tpu.memory_space<vmem>>, vector<16xi32>,
      %gather3A = tpu.vector_load_idx %arg5[%get3A_331] : memref<100000xf32, #tpu.memory_space<vmem>>[vector<16xi32>], vector<16xf32>,
      %swap3A = arith.index_cast %add3A_330 : i32 to index
      %swap3A_332 = tpu.vector_load %arg9[%swap3A] {strides = array<i32>} : memref<5120xf32, #tpu.memory_space<vmem>>, vector<16xf32>,
      tpu.vector_store %arg9[%swap3A], %gather3A {strides = array<i32>} : memref<5120xf32, #tpu.memory_space<vmem>>, vector<16xf32>,
      %mul3A_333 = arith.constant 128 : i32
      %mul3A_334 = arith.muli %scan3A_325, %mul3A_333 : i32
      %add3A_335 = arith.constant 16 : i32
      %add3A_336 = arith.addi %mul3A_334, %add3A_335 : i32
      %get3A_337 = arith.index_cast %add3A_336 : i32 to index
      %get3A_338 = tpu.vector_load %arg7[%get3A_337] {strides = array<i32>} : memref<5120xi32, #tpu.memory_space<vmem>>, vector<16xi32>,
      %gather3A_339 = tpu.vector_load_idx %arg5[%get3A_338] : memref<100000xf32, #tpu.memory_space<vmem>>[vector<16xi32>], vector<16xf32>,
      %swap3A_340 = arith.index_cast %add3A_336 : i32 to index
      %swap3A_341 = tpu.vector_load %arg9[%swap3A_340] {strides = array<i32>} : memref<5120xf32, #tpu.memory_space<vmem>>, vector<16xf32>,
      tpu.vector_store %arg9[%swap3A_340], %gather3A_339 {strides = array<i32>} : memref<5120xf32, #tpu.memory_space<vmem>>, vector<16xf32>,
      %mul3A_342 = arith.constant 128 : i32
      %mul3A_343 = arith.muli %scan3A_325, %mul3A_342 : i32
      %add3A_344 = arith.constant 32 : i32
      %add3A_345 = arith.addi %mul3A_343, %add3A_344 : i32
      %get3A_346 = arith.index_cast %add3A_345 : i32 to index
      %get3A_347 = tpu.vector_load %arg7[%get3A_346] {strides = array<i32>} : memref<5120xi32, #tpu.memory_space<vmem>>, vector<16xi32>,
      %gather3A_348 = tpu.vector_load_idx %arg5[%get3A_347] : memref<100000xf32, #tpu.memory_space<vmem>>[vector<16xi32>], vector<16xf32>,
      %swap3A_349 = arith.index_cast %add3A_345 : i32 to index
      %swap3A_350 = tpu.vector_load %arg9[%swap3A_349] {strides = array<i32>} : memref<5120xf32, #tpu.memory_space<vmem>>, vector<16xf32>,
      tpu.vector_store %arg9[%swap3A_349], %gather3A_348 {strides = array<i32>} : memref<5120xf32, #tpu.memory_space<vmem>>, vector<16xf32>,
      %mul3A_351 = arith.constant 128 : i32
      %mul3A_352 = arith.muli %scan3A_325, %mul3A_351 : i32
      %add3A_353 = arith.constant 48 : i32
      %add3A_354 = arith.addi %mul3A_352, %add3A_353 : i32
      %get3A_355 = arith.index_cast %add3A_354 : i32 to index
      %get3A_356 = tpu.vector_load %arg7[%get3A_355] {strides = array<i32>} : memref<5120xi32, #tpu.memory_space<vmem>>, vector<16xi32>,
      %gather3A_357 = tpu.vector_load_idx %arg5[%get3A_356] : memref<100000xf32, #tpu.memory_space<vmem>>[vector<16xi32>], vector<16xf32>,
      %swap3A_358 = arith.index_cast %add3A_354 : i32 to index
      %swap3A_359 = tpu.vector_load %arg9[%swap3A_358] {strides = array<i32>} : memref<5120xf32, #tpu.memory_space<vmem>>, vector<16xf32>,
      tpu.vector_store %arg9[%swap3A_358], %gather3A_357 {strides = array<i32>} : memref<5120xf32, #tpu.memory_space<vmem>>, vector<16xf32>,
      %mul3A_360 = arith.constant 128 : i32
      %mul3A_361 = arith.muli %scan3A_325, %mul3A_360 : i32
      %add3A_362 = arith.constant 64 : i32
      %add3A_363 = arith.addi %mul3A_361, %add3A_362 : i32
      %get3A_364 = arith.index_cast %add3A_363 : i32 to index
      %get3A_365 = tpu.vector_load %arg7[%get3A_364] {strides = array<i32>} : memref<5120xi32, #tpu.memory_space<vmem>>, vector<16xi32>,
      %gather3A_366 = tpu.vector_load_idx %arg5[%get3A_365] : memref<100000xf32, #tpu.memory_space<vmem>>[vector<16xi32>], vector<16xf32>,
      %swap3A_367 = arith.index_cast %add3A_363 : i32 to index
      %swap3A_368 = tpu.vector_load %arg9[%swap3A_367] {strides = array<i32>} : memref<5120xf32, #tpu.memory_space<vmem>>, vector<16xf32>,
      tpu.vector_store %arg9[%swap3A_367], %gather3A_366 {strides = array<i32>} : memref<5120xf32, #tpu.memory_space<vmem>>, vector<16xf32>,
      %mul3A_369 = arith.constant 128 : i32
      %mul3A_370 = arith.muli %scan3A_325, %mul3A_369 : i32
      %add3A_371 = arith.constant 80 : i32
      %add3A_372 = arith.addi %mul3A_370, %add3A_371 : i32
      %get3A_373 = arith.index_cast %add3A_372 : i32 to index
      %get3A_374 = tpu.vector_load %arg7[%get3A_373] {strides = array<i32>} : memref<5120xi32, #tpu.memory_space<vmem>>, vector<16xi32>,
      %gather3A_375 = tpu.vector_load_idx %arg5[%get3A_374] : memref<100000xf32, #tpu.memory_space<vmem>>[vector<16xi32>], vector<16xf32>,
      %swap3A_376 = arith.index_cast %add3A_372 : i32 to index
      %swap3A_377 = tpu.vector_load %arg9[%swap3A_376] {strides = array<i32>} : memref<5120xf32, #tpu.memory_space<vmem>>, vector<16xf32>,
      tpu.vector_store %arg9[%swap3A_376], %gather3A_375 {strides = array<i32>} : memref<5120xf32, #tpu.memory_space<vmem>>, vector<16xf32>,
      %mul3A_378 = arith.constant 128 : i32
      %mul3A_379 = arith.muli %scan3A_325, %mul3A_378 : i32
      %add3A_380 = arith.constant 96 : i32
      %add3A_381 = arith.addi %mul3A_379, %add3A_380 : i32
      %get3A_382 = arith.index_cast %add3A_381 : i32 to index
      %get3A_383 = tpu.vector_load %arg7[%get3A_382] {strides = array<i32>} : memref<5120xi32, #tpu.memory_space<vmem>>, vector<16xi32>,
      %gather3A_384 = tpu.vector_load_idx %arg5[%get3A_383] : memref<100000xf32, #tpu.memory_space<vmem>>[vector<16xi32>], vector<16xf32>,
      %swap3A_385 = arith.index_cast %add3A_381 : i32 to index
      %swap3A_386 = tpu.vector_load %arg9[%swap3A_385] {strides = array<i32>} : memref<5120xf32, #tpu.memory_space<vmem>>, vector<16xf32>,
      tpu.vector_store %arg9[%swap3A_385], %gather3A_384 {strides = array<i32>} : memref<5120xf32, #tpu.memory_space<vmem>>, vector<16xf32>,
      %mul3A_387 = arith.constant 128 : i32
      %mul3A_388 = arith.muli %scan3A_325, %mul3A_387 : i32
      %add3A_389 = arith.constant 112 : i32
      %add3A_390 = arith.addi %mul3A_388, %add3A_389 : i32
      %get3A_391 = arith.index_cast %add3A_390 : i32 to index
      %get3A_392 = tpu.vector_load %arg7[%get3A_391] {strides = array<i32>} : memref<5120xi32, #tpu.memory_space<vmem>>, vector<16xi32>,
      %gather3A_393 = tpu.vector_load_idx %arg5[%get3A_392] : memref<100000xf32, #tpu.memory_space<vmem>>[vector<16xi32>], vector<16xf32>,
      %swap3A_394 = arith.index_cast %add3A_390 : i32 to index
      %swap3A_395 = tpu.vector_load %arg9[%swap3A_394] {strides = array<i32>} : memref<5120xf32, #tpu.memory_space<vmem>>, vector<16xf32>,
      tpu.vector_store %arg9[%swap3A_394], %gather3A_393 {strides = array<i32>} : memref<5120xf32, #tpu.memory_space<vmem>>, vector<16xf32>,
      %scan3A_396 = arith.constant 0 : i32
      scf.yield %scan3A_396 : i32
    }
    %scan3A_51 = arith.constant 40 : i32
    %mul3A_52 = arith.constant 51200 : i32
    %mul3A_53 = arith.muli %arg1, %mul3A_52 : i32
    %add3A_54 = arith.constant 5120 : i32
    %add3A_55 = arith.addi %mul3A_53, %add3A_54 : i32
    %dma_start3A_56 = tpu.memref_slice %arg4[%arg0, %add3A_55] : memref<2x819200xf32, #tpu.memory_space<hbm>> -> memref<1x5120xf32, #tpu.memory_space<hbm>>
    %dma_start3A_57 = tpu.memref_squeeze %dma_start3A_56 : memref<1x5120xf32, #tpu.memory_space<hbm>> -> memref<5120xf32, #tpu.memory_space<hbm>>
    %dma_start3A_58 = tpu.memref_slice %arg4[%arg0, %add3A_55] : memref<2x819200xf32, #tpu.memory_space<hbm>> -> memref<1x5120xf32, #tpu.memory_space<hbm>>
    %dma_start3A_59 = tpu.memref_squeeze %dma_start3A_58 : memref<1x5120xf32, #tpu.memory_space<hbm>> -> memref<5120xf32, #tpu.memory_space<hbm>>
    tpu.enqueue_dma source(%arg9 : memref<5120xf32, #tpu.memory_space<vmem>>) target(%dma_start3A_59 : memref<5120xf32, #tpu.memory_space<hbm>>) target_semaphore(%arg11 : memref<!tpu.dma_semaphore, #tpu.memory_space<semaphore_mem>>)
    %dma_start3A_60 = arith.constant 3 : i32
    %dma_start3A_61 = arith.constant 0 : i32
    %dma_start3A_62 = tpu.memref_slice %arg2[%arg1, %dma_start3A_60, %dma_start3A_61] : memref<16x10x5120xi32, #tpu.memory_space<hbm>> -> memref<1x1x5120xi32, #tpu.memory_space<hbm>>
    %dma_start3A_63 = tpu.memref_squeeze %dma_start3A_62 : memref<1x1x5120xi32, #tpu.memory_space<hbm>> -> memref<5120xi32, #tpu.memory_space<hbm>>
    %dma_start3A_64 = arith.constant 0 : i32
    %dma_start3A_65 = tpu.memref_slice %arg2[%arg1, %dma_start3A_60, %dma_start3A_64] : memref<16x10x5120xi32, #tpu.memory_space<hbm>> -> memref<1x1x5120xi32, #tpu.memory_space<hbm>>
    %dma_start3A_66 = tpu.memref_squeeze %dma_start3A_65 : memref<1x1x5120xi32, #tpu.memory_space<hbm>> -> memref<5120xi32, #tpu.memory_space<hbm>>
    tpu.enqueue_dma source(%dma_start3A_66 : memref<5120xi32, #tpu.memory_space<hbm>>) target(%arg7 : memref<5120xi32, #tpu.memory_space<vmem>>) target_semaphore(%arg10 : memref<!tpu.dma_semaphore, #tpu.memory_space<semaphore_mem>>)
    %dma_wait3A_67 = arith.constant 2 : i32
    %dma_wait3A_68 = arith.constant 0 : i32
    %dma_wait3A_69 = tpu.memref_slice %arg2[%arg1, %dma_wait3A_67, %dma_wait3A_68] : memref<16x10x5120xi32, #tpu.memory_space<hbm>> -> memref<1x1x5120xi32, #tpu.memory_space<hbm>>
    %dma_wait3A_70 = tpu.memref_squeeze %dma_wait3A_69 : memref<1x1x5120xi32, #tpu.memory_space<hbm>> -> memref<5120xi32, #tpu.memory_space<hbm>>
    %dma_wait3A_71 = arith.constant 0 : i32
    %dma_wait3A_72 = tpu.memref_slice %arg2[%arg1, %dma_wait3A_67, %dma_wait3A_71] : memref<16x10x5120xi32, #tpu.memory_space<hbm>> -> memref<1x1x5120xi32, #tpu.memory_space<hbm>>
    %dma_wait3A_73 = tpu.memref_squeeze %dma_wait3A_72 : memref<1x1x5120xi32, #tpu.memory_space<hbm>> -> memref<5120xi32, #tpu.memory_space<hbm>>
    tpu.wait_dma2 semaphore(%arg10 : memref<!tpu.dma_semaphore, #tpu.memory_space<semaphore_mem>>) src(%dma_wait3A_73 : memref<5120xi32, #tpu.memory_space<hbm>>) dst(%arg6 : memref<5120xi32, #tpu.memory_space<vmem>>)
    %dma_wait3A_74 = tpu.memref_slice %arg4[%arg0, %add3A_26] : memref<2x819200xf32, #tpu.memory_space<hbm>> -> memref<1x5120xf32, #tpu.memory_space<hbm>>
    %dma_wait3A_75 = tpu.memref_squeeze %dma_wait3A_74 : memref<1x5120xf32, #tpu.memory_space<hbm>> -> memref<5120xf32, #tpu.memory_space<hbm>>
    %dma_wait3A_76 = tpu.memref_slice %arg4[%arg0, %add3A_26] : memref<2x819200xf32, #tpu.memory_space<hbm>> -> memref<1x5120xf32, #tpu.memory_space<hbm>>
    %dma_wait3A_77 = tpu.memref_squeeze %dma_wait3A_76 : memref<1x5120xf32, #tpu.memory_space<hbm>> -> memref<5120xf32, #tpu.memory_space<hbm>>
    tpu.wait_dma2 semaphore(%arg11 : memref<!tpu.dma_semaphore, #tpu.memory_space<semaphore_mem>>) src(%arg8 : memref<5120xf32, #tpu.memory_space<vmem>>) dst(%dma_wait3A_77 : memref<5120xf32, #tpu.memory_space<hbm>>)
    %scan3A_78 = arith.constant 0 : i32
    %scan3A_79 = arith.constant 0 : i32
    %scan3A_80 = arith.constant 40 : i32
    %scan3A_81 = arith.addi %scan3A_79, %scan3A_80 : i32
    %scan3A_82 = arith.constant 1 : i32
    %scan3A_83 = scf.for %scan3A_325 = %scan3A_79 to %scan3A_81 step %scan3A_82 iter_args(%scan3A_326 = %scan3A_78) -> (i32)  : i32 {
      %mul3A_327 = arith.constant 128 : i32
      %mul3A_328 = arith.muli %scan3A_325, %mul3A_327 : i32
      %add3A_329 = arith.constant 0 : i32
      %add3A_330 = arith.addi %mul3A_328, %add3A_329 : i32
      %get3A = arith.index_cast %add3A_330 : i32 to index
      %get3A_331 = tpu.vector_load %arg6[%get3A] {strides = array<i32>} : memref<5120xi32, #tpu.memory_space<vmem>>, vector<16xi32>,
      %gather3A = tpu.vector_load_idx %arg5[%get3A_331] : memref<100000xf32, #tpu.memory_space<vmem>>[vector<16xi32>], vector<16xf32>,
      %swap3A = arith.index_cast %add3A_330 : i32 to index
      %swap3A_332 = tpu.vector_load %arg8[%swap3A] {strides = array<i32>} : memref<5120xf32, #tpu.memory_space<vmem>>, vector<16xf32>,
      tpu.vector_store %arg8[%swap3A], %gather3A {strides = array<i32>} : memref<5120xf32, #tpu.memory_space<vmem>>, vector<16xf32>,
      %mul3A_333 = arith.constant 128 : i32
      %mul3A_334 = arith.muli %scan3A_325, %mul3A_333 : i32
      %add3A_335 = arith.constant 16 : i32
      %add3A_336 = arith.addi %mul3A_334, %add3A_335 : i32
      %get3A_337 = arith.index_cast %add3A_336 : i32 to index
      %get3A_338 = tpu.vector_load %arg6[%get3A_337] {strides = array<i32>} : memref<5120xi32, #tpu.memory_space<vmem>>, vector<16xi32>,
      %gather3A_339 = tpu.vector_load_idx %arg5[%get3A_338] : memref<100000xf32, #tpu.memory_space<vmem>>[vector<16xi32>], vector<16xf32>,
      %swap3A_340 = arith.index_cast %add3A_336 : i32 to index
      %swap3A_341 = tpu.vector_load %arg8[%swap3A_340] {strides = array<i32>} : memref<5120xf32, #tpu.memory_space<vmem>>, vector<16xf32>,
      tpu.vector_store %arg8[%swap3A_340], %gather3A_339 {strides = array<i32>} : memref<5120xf32, #tpu.memory_space<vmem>>, vector<16xf32>,
      %mul3A_342 = arith.constant 128 : i32
      %mul3A_343 = arith.muli %scan3A_325, %mul3A_342 : i32
      %add3A_344 = arith.constant 32 : i32
      %add3A_345 = arith.addi %mul3A_343, %add3A_344 : i32
      %get3A_346 = arith.index_cast %add3A_345 : i32 to index
      %get3A_347 = tpu.vector_load %arg6[%get3A_346] {strides = array<i32>} : memref<5120xi32, #tpu.memory_space<vmem>>, vector<16xi32>,
      %gather3A_348 = tpu.vector_load_idx %arg5[%get3A_347] : memref<100000xf32, #tpu.memory_space<vmem>>[vector<16xi32>], vector<16xf32>,
      %swap3A_349 = arith.index_cast %add3A_345 : i32 to index
      %swap3A_350 = tpu.vector_load %arg8[%swap3A_349] {strides = array<i32>} : memref<5120xf32, #tpu.memory_space<vmem>>, vector<16xf32>,
      tpu.vector_store %arg8[%swap3A_349], %gather3A_348 {strides = array<i32>} : memref<5120xf32, #tpu.memory_space<vmem>>, vector<16xf32>,
      %mul3A_351 = arith.constant 128 : i32
      %mul3A_352 = arith.muli %scan3A_325, %mul3A_351 : i32
      %add3A_353 = arith.constant 48 : i32
      %add3A_354 = arith.addi %mul3A_352, %add3A_353 : i32
      %get3A_355 = arith.index_cast %add3A_354 : i32 to index
      %get3A_356 = tpu.vector_load %arg6[%get3A_355] {strides = array<i32>} : memref<5120xi32, #tpu.memory_space<vmem>>, vector<16xi32>,
      %gather3A_357 = tpu.vector_load_idx %arg5[%get3A_356] : memref<100000xf32, #tpu.memory_space<vmem>>[vector<16xi32>], vector<16xf32>,
      %swap3A_358 = arith.index_cast %add3A_354 : i32 to index
      %swap3A_359 = tpu.vector_load %arg8[%swap3A_358] {strides = array<i32>} : memref<5120xf32, #tpu.memory_space<vmem>>, vector<16xf32>,
      tpu.vector_store %arg8[%swap3A_358], %gather3A_357 {strides = array<i32>} : memref<5120xf32, #tpu.memory_space<vmem>>, vector<16xf32>,
      %mul3A_360 = arith.constant 128 : i32
      %mul3A_361 = arith.muli %scan3A_325, %mul3A_360 : i32
      %add3A_362 = arith.constant 64 : i32
      %add3A_363 = arith.addi %mul3A_361, %add3A_362 : i32
      %get3A_364 = arith.index_cast %add3A_363 : i32 to index
      %get3A_365 = tpu.vector_load %arg6[%get3A_364] {strides = array<i32>} : memref<5120xi32, #tpu.memory_space<vmem>>, vector<16xi32>,
      %gather3A_366 = tpu.vector_load_idx %arg5[%get3A_365] : memref<100000xf32, #tpu.memory_space<vmem>>[vector<16xi32>], vector<16xf32>,
      %swap3A_367 = arith.index_cast %add3A_363 : i32 to index
      %swap3A_368 = tpu.vector_load %arg8[%swap3A_367] {strides = array<i32>} : memref<5120xf32, #tpu.memory_space<vmem>>, vector<16xf32>,
      tpu.vector_store %arg8[%swap3A_367], %gather3A_366 {strides = array<i32>} : memref<5120xf32, #tpu.memory_space<vmem>>, vector<16xf32>,
      %mul3A_369 = arith.constant 128 : i32
      %mul3A_370 = arith.muli %scan3A_325, %mul3A_369 : i32
      %add3A_371 = arith.constant 80 : i32
      %add3A_372 = arith.addi %mul3A_370, %add3A_371 : i32
      %get3A_373 = arith.index_cast %add3A_372 : i32 to index
      %get3A_374 = tpu.vector_load %arg6[%get3A_373] {strides = array<i32>} : memref<5120xi32, #tpu.memory_space<vmem>>, vector<16xi32>,
      %gather3A_375 = tpu.vector_load_idx %arg5[%get3A_374] : memref<100000xf32, #tpu.memory_space<vmem>>[vector<16xi32>], vector<16xf32>,
      %swap3A_376 = arith.index_cast %add3A_372 : i32 to index
      %swap3A_377 = tpu.vector_load %arg8[%swap3A_376] {strides = array<i32>} : memref<5120xf32, #tpu.memory_space<vmem>>, vector<16xf32>,
      tpu.vector_store %arg8[%swap3A_376], %gather3A_375 {strides = array<i32>} : memref<5120xf32, #tpu.memory_space<vmem>>, vector<16xf32>,
      %mul3A_378 = arith.constant 128 : i32
      %mul3A_379 = arith.muli %scan3A_325, %mul3A_378 : i32
      %add3A_380 = arith.constant 96 : i32
      %add3A_381 = arith.addi %mul3A_379, %add3A_380 : i32
      %get3A_382 = arith.index_cast %add3A_381 : i32 to index
      %get3A_383 = tpu.vector_load %arg6[%get3A_382] {strides = array<i32>} : memref<5120xi32, #tpu.memory_space<vmem>>, vector<16xi32>,
      %gather3A_384 = tpu.vector_load_idx %arg5[%get3A_383] : memref<100000xf32, #tpu.memory_space<vmem>>[vector<16xi32>], vector<16xf32>,
      %swap3A_385 = arith.index_cast %add3A_381 : i32 to index
      %swap3A_386 = tpu.vector_load %arg8[%swap3A_385] {strides = array<i32>} : memref<5120xf32, #tpu.memory_space<vmem>>, vector<16xf32>,
      tpu.vector_store %arg8[%swap3A_385], %gather3A_384 {strides = array<i32>} : memref<5120xf32, #tpu.memory_space<vmem>>, vector<16xf32>,
      %mul3A_387 = arith.constant 128 : i32
      %mul3A_388 = arith.muli %scan3A_325, %mul3A_387 : i32
      %add3A_389 = arith.constant 112 : i32
      %add3A_390 = arith.addi %mul3A_388, %add3A_389 : i32
      %get3A_391 = arith.index_cast %add3A_390 : i32 to index
      %get3A_392 = tpu.vector_load %arg6[%get3A_391] {strides = array<i32>} : memref<5120xi32, #tpu.memory_space<vmem>>, vector<16xi32>,
      %gather3A_393 = tpu.vector_load_idx %arg5[%get3A_392] : memref<100000xf32, #tpu.memory_space<vmem>>[vector<16xi32>], vector<16xf32>,
      %swap3A_394 = arith.index_cast %add3A_390 : i32 to index
      %swap3A_395 = tpu.vector_load %arg8[%swap3A_394] {strides = array<i32>} : memref<5120xf32, #tpu.memory_space<vmem>>, vector<16xf32>,
      tpu.vector_store %arg8[%swap3A_394], %gather3A_393 {strides = array<i32>} : memref<5120xf32, #tpu.memory_space<vmem>>, vector<16xf32>,
      %scan3A_396 = arith.constant 0 : i32
      scf.yield %scan3A_396 : i32
    }
    %scan3A_84 = arith.constant 40 : i32
    %mul3A_85 = arith.constant 51200 : i32
    %mul3A_86 = arith.muli %arg1, %mul3A_85 : i32
    %add3A_87 = arith.constant 10240 : i32
    %add3A_88 = arith.addi %mul3A_86, %add3A_87 : i32
    %dma_start3A_89 = tpu.memref_slice %arg4[%arg0, %add3A_88] : memref<2x819200xf32, #tpu.memory_space<hbm>> -> memref<1x5120xf32, #tpu.memory_space<hbm>>
    %dma_start3A_90 = tpu.memref_squeeze %dma_start3A_89 : memref<1x5120xf32, #tpu.memory_space<hbm>> -> memref<5120xf32, #tpu.memory_space<hbm>>
    %dma_start3A_91 = tpu.memref_slice %arg4[%arg0, %add3A_88] : memref<2x819200xf32, #tpu.memory_space<hbm>> -> memref<1x5120xf32, #tpu.memory_space<hbm>>
    %dma_start3A_92 = tpu.memref_squeeze %dma_start3A_91 : memref<1x5120xf32, #tpu.memory_space<hbm>> -> memref<5120xf32, #tpu.memory_space<hbm>>
    tpu.enqueue_dma source(%arg8 : memref<5120xf32, #tpu.memory_space<vmem>>) target(%dma_start3A_92 : memref<5120xf32, #tpu.memory_space<hbm>>) target_semaphore(%arg11 : memref<!tpu.dma_semaphore, #tpu.memory_space<semaphore_mem>>)
    %dma_start3A_93 = arith.constant 4 : i32
    %dma_start3A_94 = arith.constant 0 : i32
    %dma_start3A_95 = tpu.memref_slice %arg2[%arg1, %dma_start3A_93, %dma_start3A_94] : memref<16x10x5120xi32, #tpu.memory_space<hbm>> -> memref<1x1x5120xi32, #tpu.memory_space<hbm>>
    %dma_start3A_96 = tpu.memref_squeeze %dma_start3A_95 : memref<1x1x5120xi32, #tpu.memory_space<hbm>> -> memref<5120xi32, #tpu.memory_space<hbm>>
    %dma_start3A_97 = arith.constant 0 : i32
    %dma_start3A_98 = tpu.memref_slice %arg2[%arg1, %dma_start3A_93, %dma_start3A_97] : memref<16x10x5120xi32, #tpu.memory_space<hbm>> -> memref<1x1x5120xi32, #tpu.memory_space<hbm>>
    %dma_start3A_99 = tpu.memref_squeeze %dma_start3A_98 : memref<1x1x5120xi32, #tpu.memory_space<hbm>> -> memref<5120xi32, #tpu.memory_space<hbm>>
    tpu.enqueue_dma source(%dma_start3A_99 : memref<5120xi32, #tpu.memory_space<hbm>>) target(%arg6 : memref<5120xi32, #tpu.memory_space<vmem>>) target_semaphore(%arg10 : memref<!tpu.dma_semaphore, #tpu.memory_space<semaphore_mem>>)
    %dma_wait3A_100 = arith.constant 3 : i32
    %dma_wait3A_101 = arith.constant 0 : i32
    %dma_wait3A_102 = tpu.memref_slice %arg2[%arg1, %dma_wait3A_100, %dma_wait3A_101] : memref<16x10x5120xi32, #tpu.memory_space<hbm>> -> memref<1x1x5120xi32, #tpu.memory_space<hbm>>
    %dma_wait3A_103 = tpu.memref_squeeze %dma_wait3A_102 : memref<1x1x5120xi32, #tpu.memory_space<hbm>> -> memref<5120xi32, #tpu.memory_space<hbm>>
    %dma_wait3A_104 = arith.constant 0 : i32
    %dma_wait3A_105 = tpu.memref_slice %arg2[%arg1, %dma_wait3A_100, %dma_wait3A_104] : memref<16x10x5120xi32, #tpu.memory_space<hbm>> -> memref<1x1x5120xi32, #tpu.memory_space<hbm>>
    %dma_wait3A_106 = tpu.memref_squeeze %dma_wait3A_105 : memref<1x1x5120xi32, #tpu.memory_space<hbm>> -> memref<5120xi32, #tpu.memory_space<hbm>>
    tpu.wait_dma2 semaphore(%arg10 : memref<!tpu.dma_semaphore, #tpu.memory_space<semaphore_mem>>) src(%dma_wait3A_106 : memref<5120xi32, #tpu.memory_space<hbm>>) dst(%arg7 : memref<5120xi32, #tpu.memory_space<vmem>>)
    %dma_wait3A_107 = tpu.memref_slice %arg4[%arg0, %add3A_55] : memref<2x819200xf32, #tpu.memory_space<hbm>> -> memref<1x5120xf32, #tpu.memory_space<hbm>>
    %dma_wait3A_108 = tpu.memref_squeeze %dma_wait3A_107 : memref<1x5120xf32, #tpu.memory_space<hbm>> -> memref<5120xf32, #tpu.memory_space<hbm>>
    %dma_wait3A_109 = tpu.memref_slice %arg4[%arg0, %add3A_55] : memref<2x819200xf32, #tpu.memory_space<hbm>> -> memref<1x5120xf32, #tpu.memory_space<hbm>>
    %dma_wait3A_110 = tpu.memref_squeeze %dma_wait3A_109 : memref<1x5120xf32, #tpu.memory_space<hbm>> -> memref<5120xf32, #tpu.memory_space<hbm>>
    tpu.wait_dma2 semaphore(%arg11 : memref<!tpu.dma_semaphore, #tpu.memory_space<semaphore_mem>>) src(%arg9 : memref<5120xf32, #tpu.memory_space<vmem>>) dst(%dma_wait3A_110 : memref<5120xf32, #tpu.memory_space<hbm>>)
    %scan3A_111 = arith.constant 0 : i32
    %scan3A_112 = arith.constant 0 : i32
    %scan3A_113 = arith.constant 40 : i32
    %scan3A_114 = arith.addi %scan3A_112, %scan3A_113 : i32
    %scan3A_115 = arith.constant 1 : i32
    %scan3A_116 = scf.for %scan3A_325 = %scan3A_112 to %scan3A_114 step %scan3A_115 iter_args(%scan3A_326 = %scan3A_111) -> (i32)  : i32 {
      %mul3A_327 = arith.constant 128 : i32
      %mul3A_328 = arith.muli %scan3A_325, %mul3A_327 : i32
      %add3A_329 = arith.constant 0 : i32
      %add3A_330 = arith.addi %mul3A_328, %add3A_329 : i32
      %get3A = arith.index_cast %add3A_330 : i32 to index
      %get3A_331 = tpu.vector_load %arg7[%get3A] {strides = array<i32>} : memref<5120xi32, #tpu.memory_space<vmem>>, vector<16xi32>,
      %gather3A = tpu.vector_load_idx %arg5[%get3A_331] : memref<100000xf32, #tpu.memory_space<vmem>>[vector<16xi32>], vector<16xf32>,
      %swap3A = arith.index_cast %add3A_330 : i32 to index
      %swap3A_332 = tpu.vector_load %arg9[%swap3A] {strides = array<i32>} : memref<5120xf32, #tpu.memory_space<vmem>>, vector<16xf32>,
      tpu.vector_store %arg9[%swap3A], %gather3A {strides = array<i32>} : memref<5120xf32, #tpu.memory_space<vmem>>, vector<16xf32>,
      %mul3A_333 = arith.constant 128 : i32
      %mul3A_334 = arith.muli %scan3A_325, %mul3A_333 : i32
      %add3A_335 = arith.constant 16 : i32
      %add3A_336 = arith.addi %mul3A_334, %add3A_335 : i32
      %get3A_337 = arith.index_cast %add3A_336 : i32 to index
      %get3A_338 = tpu.vector_load %arg7[%get3A_337] {strides = array<i32>} : memref<5120xi32, #tpu.memory_space<vmem>>, vector<16xi32>,
      %gather3A_339 = tpu.vector_load_idx %arg5[%get3A_338] : memref<100000xf32, #tpu.memory_space<vmem>>[vector<16xi32>], vector<16xf32>,
      %swap3A_340 = arith.index_cast %add3A_336 : i32 to index
      %swap3A_341 = tpu.vector_load %arg9[%swap3A_340] {strides = array<i32>} : memref<5120xf32, #tpu.memory_space<vmem>>, vector<16xf32>,
      tpu.vector_store %arg9[%swap3A_340], %gather3A_339 {strides = array<i32>} : memref<5120xf32, #tpu.memory_space<vmem>>, vector<16xf32>,
      %mul3A_342 = arith.constant 128 : i32
      %mul3A_343 = arith.muli %scan3A_325, %mul3A_342 : i32
      %add3A_344 = arith.constant 32 : i32
      %add3A_345 = arith.addi %mul3A_343, %add3A_344 : i32
      %get3A_346 = arith.index_cast %add3A_345 : i32 to index
      %get3A_347 = tpu.vector_load %arg7[%get3A_346] {strides = array<i32>} : memref<5120xi32, #tpu.memory_space<vmem>>, vector<16xi32>,
      %gather3A_348 = tpu.vector_load_idx %arg5[%get3A_347] : memref<100000xf32, #tpu.memory_space<vmem>>[vector<16xi32>], vector<16xf32>,
      %swap3A_349 = arith.index_cast %add3A_345 : i32 to index
      %swap3A_350 = tpu.vector_load %arg9[%swap3A_349] {strides = array<i32>} : memref<5120xf32, #tpu.memory_space<vmem>>, vector<16xf32>,
      tpu.vector_store %arg9[%swap3A_349], %gather3A_348 {strides = array<i32>} : memref<5120xf32, #tpu.memory_space<vmem>>, vector<16xf32>,
      %mul3A_351 = arith.constant 128 : i32
      %mul3A_352 = arith.muli %scan3A_325, %mul3A_351 : i32
      %add3A_353 = arith.constant 48 : i32
      %add3A_354 = arith.addi %mul3A_352, %add3A_353 : i32
      %get3A_355 = arith.index_cast %add3A_354 : i32 to index
      %get3A_356 = tpu.vector_load %arg7[%get3A_355] {strides = array<i32>} : memref<5120xi32, #tpu.memory_space<vmem>>, vector<16xi32>,
      %gather3A_357 = tpu.vector_load_idx %arg5[%get3A_356] : memref<100000xf32, #tpu.memory_space<vmem>>[vector<16xi32>], vector<16xf32>,
      %swap3A_358 = arith.index_cast %add3A_354 : i32 to index
      %swap3A_359 = tpu.vector_load %arg9[%swap3A_358] {strides = array<i32>} : memref<5120xf32, #tpu.memory_space<vmem>>, vector<16xf32>,
      tpu.vector_store %arg9[%swap3A_358], %gather3A_357 {strides = array<i32>} : memref<5120xf32, #tpu.memory_space<vmem>>, vector<16xf32>,
      %mul3A_360 = arith.constant 128 : i32
      %mul3A_361 = arith.muli %scan3A_325, %mul3A_360 : i32
      %add3A_362 = arith.constant 64 : i32
      %add3A_363 = arith.addi %mul3A_361, %add3A_362 : i32
      %get3A_364 = arith.index_cast %add3A_363 : i32 to index
      %get3A_365 = tpu.vector_load %arg7[%get3A_364] {strides = array<i32>} : memref<5120xi32, #tpu.memory_space<vmem>>, vector<16xi32>,
      %gather3A_366 = tpu.vector_load_idx %arg5[%get3A_365] : memref<100000xf32, #tpu.memory_space<vmem>>[vector<16xi32>], vector<16xf32>,
      %swap3A_367 = arith.index_cast %add3A_363 : i32 to index
      %swap3A_368 = tpu.vector_load %arg9[%swap3A_367] {strides = array<i32>} : memref<5120xf32, #tpu.memory_space<vmem>>, vector<16xf32>,
      tpu.vector_store %arg9[%swap3A_367], %gather3A_366 {strides = array<i32>} : memref<5120xf32, #tpu.memory_space<vmem>>, vector<16xf32>,
      %mul3A_369 = arith.constant 128 : i32
      %mul3A_370 = arith.muli %scan3A_325, %mul3A_369 : i32
      %add3A_371 = arith.constant 80 : i32
      %add3A_372 = arith.addi %mul3A_370, %add3A_371 : i32
      %get3A_373 = arith.index_cast %add3A_372 : i32 to index
      %get3A_374 = tpu.vector_load %arg7[%get3A_373] {strides = array<i32>} : memref<5120xi32, #tpu.memory_space<vmem>>, vector<16xi32>,
      %gather3A_375 = tpu.vector_load_idx %arg5[%get3A_374] : memref<100000xf32, #tpu.memory_space<vmem>>[vector<16xi32>], vector<16xf32>,
      %swap3A_376 = arith.index_cast %add3A_372 : i32 to index
      %swap3A_377 = tpu.vector_load %arg9[%swap3A_376] {strides = array<i32>} : memref<5120xf32, #tpu.memory_space<vmem>>, vector<16xf32>,
      tpu.vector_store %arg9[%swap3A_376], %gather3A_375 {strides = array<i32>} : memref<5120xf32, #tpu.memory_space<vmem>>, vector<16xf32>,
      %mul3A_378 = arith.constant 128 : i32
      %mul3A_379 = arith.muli %scan3A_325, %mul3A_378 : i32
      %add3A_380 = arith.constant 96 : i32
      %add3A_381 = arith.addi %mul3A_379, %add3A_380 : i32
      %get3A_382 = arith.index_cast %add3A_381 : i32 to index
      %get3A_383 = tpu.vector_load %arg7[%get3A_382] {strides = array<i32>} : memref<5120xi32, #tpu.memory_space<vmem>>, vector<16xi32>,
      %gather3A_384 = tpu.vector_load_idx %arg5[%get3A_383] : memref<100000xf32, #tpu.memory_space<vmem>>[vector<16xi32>], vector<16xf32>,
      %swap3A_385 = arith.index_cast %add3A_381 : i32 to index
      %swap3A_386 = tpu.vector_load %arg9[%swap3A_385] {strides = array<i32>} : memref<5120xf32, #tpu.memory_space<vmem>>, vector<16xf32>,
      tpu.vector_store %arg9[%swap3A_385], %gather3A_384 {strides = array<i32>} : memref<5120xf32, #tpu.memory_space<vmem>>, vector<16xf32>,
      %mul3A_387 = arith.constant 128 : i32
      %mul3A_388 = arith.muli %scan3A_325, %mul3A_387 : i32
      %add3A_389 = arith.constant 112 : i32
      %add3A_390 = arith.addi %mul3A_388, %add3A_389 : i32
      %get3A_391 = arith.index_cast %add3A_390 : i32 to index
      %get3A_392 = tpu.vector_load %arg7[%get3A_391] {strides = array<i32>} : memref<5120xi32, #tpu.memory_space<vmem>>, vector<16xi32>,
      %gather3A_393 = tpu.vector_load_idx %arg5[%get3A_392] : memref<100000xf32, #tpu.memory_space<vmem>>[vector<16xi32>], vector<16xf32>,
      %swap3A_394 = arith.index_cast %add3A_390 : i32 to index
      %swap3A_395 = tpu.vector_load %arg9[%swap3A_394] {strides = array<i32>} : memref<5120xf32, #tpu.memory_space<vmem>>, vector<16xf32>,
      tpu.vector_store %arg9[%swap3A_394], %gather3A_393 {strides = array<i32>} : memref<5120xf32, #tpu.memory_space<vmem>>, vector<16xf32>,
      %scan3A_396 = arith.constant 0 : i32
      scf.yield %scan3A_396 : i32
    }
    %scan3A_117 = arith.constant 40 : i32
    %mul3A_118 = arith.constant 51200 : i32
    %mul3A_119 = arith.muli %arg1, %mul3A_118 : i32
    %add3A_120 = arith.constant 15360 : i32
    %add3A_121 = arith.addi %mul3A_119, %add3A_120 : i32
    %dma_start3A_122 = tpu.memref_slice %arg4[%arg0, %add3A_121] : memref<2x819200xf32, #tpu.memory_space<hbm>> -> memref<1x5120xf32, #tpu.memory_space<hbm>>
    %dma_start3A_123 = tpu.memref_squeeze %dma_start3A_122 : memref<1x5120xf32, #tpu.memory_space<hbm>> -> memref<5120xf32, #tpu.memory_space<hbm>>
    %dma_start3A_124 = tpu.memref_slice %arg4[%arg0, %add3A_121] : memref<2x819200xf32, #tpu.memory_space<hbm>> -> memref<1x5120xf32, #tpu.memory_space<hbm>>
    %dma_start3A_125 = tpu.memref_squeeze %dma_start3A_124 : memref<1x5120xf32, #tpu.memory_space<hbm>> -> memref<5120xf32, #tpu.memory_space<hbm>>
    tpu.enqueue_dma source(%arg9 : memref<5120xf32, #tpu.memory_space<vmem>>) target(%dma_start3A_125 : memref<5120xf32, #tpu.memory_space<hbm>>) target_semaphore(%arg11 : memref<!tpu.dma_semaphore, #tpu.memory_space<semaphore_mem>>)
    %dma_start3A_126 = arith.constant 5 : i32
    %dma_start3A_127 = arith.constant 0 : i32
    %dma_start3A_128 = tpu.memref_slice %arg2[%arg1, %dma_start3A_126, %dma_start3A_127] : memref<16x10x5120xi32, #tpu.memory_space<hbm>> -> memref<1x1x5120xi32, #tpu.memory_space<hbm>>
    %dma_start3A_129 = tpu.memref_squeeze %dma_start3A_128 : memref<1x1x5120xi32, #tpu.memory_space<hbm>> -> memref<5120xi32, #tpu.memory_space<hbm>>
    %dma_start3A_130 = arith.constant 0 : i32
    %dma_start3A_131 = tpu.memref_slice %arg2[%arg1, %dma_start3A_126, %dma_start3A_130] : memref<16x10x5120xi32, #tpu.memory_space<hbm>> -> memref<1x1x5120xi32, #tpu.memory_space<hbm>>
    %dma_start3A_132 = tpu.memref_squeeze %dma_start3A_131 : memref<1x1x5120xi32, #tpu.memory_space<hbm>> -> memref<5120xi32, #tpu.memory_space<hbm>>
    tpu.enqueue_dma source(%dma_start3A_132 : memref<5120xi32, #tpu.memory_space<hbm>>) target(%arg7 : memref<5120xi32, #tpu.memory_space<vmem>>) target_semaphore(%arg10 : memref<!tpu.dma_semaphore, #tpu.memory_space<semaphore_mem>>)
    %dma_wait3A_133 = arith.constant 4 : i32
    %dma_wait3A_134 = arith.constant 0 : i32
    %dma_wait3A_135 = tpu.memref_slice %arg2[%arg1, %dma_wait3A_133, %dma_wait3A_134] : memref<16x10x5120xi32, #tpu.memory_space<hbm>> -> memref<1x1x5120xi32, #tpu.memory_space<hbm>>
    %dma_wait3A_136 = tpu.memref_squeeze %dma_wait3A_135 : memref<1x1x5120xi32, #tpu.memory_space<hbm>> -> memref<5120xi32, #tpu.memory_space<hbm>>
    %dma_wait3A_137 = arith.constant 0 : i32
    %dma_wait3A_138 = tpu.memref_slice %arg2[%arg1, %dma_wait3A_133, %dma_wait3A_137] : memref<16x10x5120xi32, #tpu.memory_space<hbm>> -> memref<1x1x5120xi32, #tpu.memory_space<hbm>>
    %dma_wait3A_139 = tpu.memref_squeeze %dma_wait3A_138 : memref<1x1x5120xi32, #tpu.memory_space<hbm>> -> memref<5120xi32, #tpu.memory_space<hbm>>
    tpu.wait_dma2 semaphore(%arg10 : memref<!tpu.dma_semaphore, #tpu.memory_space<semaphore_mem>>) src(%dma_wait3A_139 : memref<5120xi32, #tpu.memory_space<hbm>>) dst(%arg6 : memref<5120xi32, #tpu.memory_space<vmem>>)
    %dma_wait3A_140 = tpu.memref_slice %arg4[%arg0, %add3A_88] : memref<2x819200xf32, #tpu.memory_space<hbm>> -> memref<1x5120xf32, #tpu.memory_space<hbm>>
    %dma_wait3A_141 = tpu.memref_squeeze %dma_wait3A_140 : memref<1x5120xf32, #tpu.memory_space<hbm>> -> memref<5120xf32, #tpu.memory_space<hbm>>
    %dma_wait3A_142 = tpu.memref_slice %arg4[%arg0, %add3A_88] : memref<2x819200xf32, #tpu.memory_space<hbm>> -> memref<1x5120xf32, #tpu.memory_space<hbm>>
    %dma_wait3A_143 = tpu.memref_squeeze %dma_wait3A_142 : memref<1x5120xf32, #tpu.memory_space<hbm>> -> memref<5120xf32, #tpu.memory_space<hbm>>
    tpu.wait_dma2 semaphore(%arg11 : memref<!tpu.dma_semaphore, #tpu.memory_space<semaphore_mem>>) src(%arg8 : memref<5120xf32, #tpu.memory_space<vmem>>) dst(%dma_wait3A_143 : memref<5120xf32, #tpu.memory_space<hbm>>)
    %scan3A_144 = arith.constant 0 : i32
    %scan3A_145 = arith.constant 0 : i32
    %scan3A_146 = arith.constant 40 : i32
    %scan3A_147 = arith.addi %scan3A_145, %scan3A_146 : i32
    %scan3A_148 = arith.constant 1 : i32
    %scan3A_149 = scf.for %scan3A_325 = %scan3A_145 to %scan3A_147 step %scan3A_148 iter_args(%scan3A_326 = %scan3A_144) -> (i32)  : i32 {
      %mul3A_327 = arith.constant 128 : i32
      %mul3A_328 = arith.muli %scan3A_325, %mul3A_327 : i32
      %add3A_329 = arith.constant 0 : i32
      %add3A_330 = arith.addi %mul3A_328, %add3A_329 : i32
      %get3A = arith.index_cast %add3A_330 : i32 to index
      %get3A_331 = tpu.vector_load %arg6[%get3A] {strides = array<i32>} : memref<5120xi32, #tpu.memory_space<vmem>>, vector<16xi32>,
      %gather3A = tpu.vector_load_idx %arg5[%get3A_331] : memref<100000xf32, #tpu.memory_space<vmem>>[vector<16xi32>], vector<16xf32>,
      %swap3A = arith.index_cast %add3A_330 : i32 to index
      %swap3A_332 = tpu.vector_load %arg8[%swap3A] {strides = array<i32>} : memref<5120xf32, #tpu.memory_space<vmem>>, vector<16xf32>,
      tpu.vector_store %arg8[%swap3A], %gather3A {strides = array<i32>} : memref<5120xf32, #tpu.memory_space<vmem>>, vector<16xf32>,
      %mul3A_333 = arith.constant 128 : i32
      %mul3A_334 = arith.muli %scan3A_325, %mul3A_333 : i32
      %add3A_335 = arith.constant 16 : i32
      %add3A_336 = arith.addi %mul3A_334, %add3A_335 : i32
      %get3A_337 = arith.index_cast %add3A_336 : i32 to index
      %get3A_338 = tpu.vector_load %arg6[%get3A_337] {strides = array<i32>} : memref<5120xi32, #tpu.memory_space<vmem>>, vector<16xi32>,
      %gather3A_339 = tpu.vector_load_idx %arg5[%get3A_338] : memref<100000xf32, #tpu.memory_space<vmem>>[vector<16xi32>], vector<16xf32>,
      %swap3A_340 = arith.index_cast %add3A_336 : i32 to index
      %swap3A_341 = tpu.vector_load %arg8[%swap3A_340] {strides = array<i32>} : memref<5120xf32, #tpu.memory_space<vmem>>, vector<16xf32>,
      tpu.vector_store %arg8[%swap3A_340], %gather3A_339 {strides = array<i32>} : memref<5120xf32, #tpu.memory_space<vmem>>, vector<16xf32>,
      %mul3A_342 = arith.constant 128 : i32
      %mul3A_343 = arith.muli %scan3A_325, %mul3A_342 : i32
      %add3A_344 = arith.constant 32 : i32
      %add3A_345 = arith.addi %mul3A_343, %add3A_344 : i32
      %get3A_346 = arith.index_cast %add3A_345 : i32 to index
      %get3A_347 = tpu.vector_load %arg6[%get3A_346] {strides = array<i32>} : memref<5120xi32, #tpu.memory_space<vmem>>, vector<16xi32>,
      %gather3A_348 = tpu.vector_load_idx %arg5[%get3A_347] : memref<100000xf32, #tpu.memory_space<vmem>>[vector<16xi32>], vector<16xf32>,
      %swap3A_349 = arith.index_cast %add3A_345 : i32 to index
      %swap3A_350 = tpu.vector_load %arg8[%swap3A_349] {strides = array<i32>} : memref<5120xf32, #tpu.memory_space<vmem>>, vector<16xf32>,
      tpu.vector_store %arg8[%swap3A_349], %gather3A_348 {strides = array<i32>} : memref<5120xf32, #tpu.memory_space<vmem>>, vector<16xf32>,
      %mul3A_351 = arith.constant 128 : i32
      %mul3A_352 = arith.muli %scan3A_325, %mul3A_351 : i32
      %add3A_353 = arith.constant 48 : i32
      %add3A_354 = arith.addi %mul3A_352, %add3A_353 : i32
      %get3A_355 = arith.index_cast %add3A_354 : i32 to index
      %get3A_356 = tpu.vector_load %arg6[%get3A_355] {strides = array<i32>} : memref<5120xi32, #tpu.memory_space<vmem>>, vector<16xi32>,
      %gather3A_357 = tpu.vector_load_idx %arg5[%get3A_356] : memref<100000xf32, #tpu.memory_space<vmem>>[vector<16xi32>], vector<16xf32>,
      %swap3A_358 = arith.index_cast %add3A_354 : i32 to index
      %swap3A_359 = tpu.vector_load %arg8[%swap3A_358] {strides = array<i32>} : memref<5120xf32, #tpu.memory_space<vmem>>, vector<16xf32>,
      tpu.vector_store %arg8[%swap3A_358], %gather3A_357 {strides = array<i32>} : memref<5120xf32, #tpu.memory_space<vmem>>, vector<16xf32>,
      %mul3A_360 = arith.constant 128 : i32
      %mul3A_361 = arith.muli %scan3A_325, %mul3A_360 : i32
      %add3A_362 = arith.constant 64 : i32
      %add3A_363 = arith.addi %mul3A_361, %add3A_362 : i32
      %get3A_364 = arith.index_cast %add3A_363 : i32 to index
      %get3A_365 = tpu.vector_load %arg6[%get3A_364] {strides = array<i32>} : memref<5120xi32, #tpu.memory_space<vmem>>, vector<16xi32>,
      %gather3A_366 = tpu.vector_load_idx %arg5[%get3A_365] : memref<100000xf32, #tpu.memory_space<vmem>>[vector<16xi32>], vector<16xf32>,
      %swap3A_367 = arith.index_cast %add3A_363 : i32 to index
      %swap3A_368 = tpu.vector_load %arg8[%swap3A_367] {strides = array<i32>} : memref<5120xf32, #tpu.memory_space<vmem>>, vector<16xf32>,
      tpu.vector_store %arg8[%swap3A_367], %gather3A_366 {strides = array<i32>} : memref<5120xf32, #tpu.memory_space<vmem>>, vector<16xf32>,
      %mul3A_369 = arith.constant 128 : i32
      %mul3A_370 = arith.muli %scan3A_325, %mul3A_369 : i32
      %add3A_371 = arith.constant 80 : i32
      %add3A_372 = arith.addi %mul3A_370, %add3A_371 : i32
      %get3A_373 = arith.index_cast %add3A_372 : i32 to index
      %get3A_374 = tpu.vector_load %arg6[%get3A_373] {strides = array<i32>} : memref<5120xi32, #tpu.memory_space<vmem>>, vector<16xi32>,
      %gather3A_375 = tpu.vector_load_idx %arg5[%get3A_374] : memref<100000xf32, #tpu.memory_space<vmem>>[vector<16xi32>], vector<16xf32>,
      %swap3A_376 = arith.index_cast %add3A_372 : i32 to index
      %swap3A_377 = tpu.vector_load %arg8[%swap3A_376] {strides = array<i32>} : memref<5120xf32, #tpu.memory_space<vmem>>, vector<16xf32>,
      tpu.vector_store %arg8[%swap3A_376], %gather3A_375 {strides = array<i32>} : memref<5120xf32, #tpu.memory_space<vmem>>, vector<16xf32>,
      %mul3A_378 = arith.constant 128 : i32
      %mul3A_379 = arith.muli %scan3A_325, %mul3A_378 : i32
      %add3A_380 = arith.constant 96 : i32
      %add3A_381 = arith.addi %mul3A_379, %add3A_380 : i32
      %get3A_382 = arith.index_cast %add3A_381 : i32 to index
      %get3A_383 = tpu.vector_load %arg6[%get3A_382] {strides = array<i32>} : memref<5120xi32, #tpu.memory_space<vmem>>, vector<16xi32>,
      %gather3A_384 = tpu.vector_load_idx %arg5[%get3A_383] : memref<100000xf32, #tpu.memory_space<vmem>>[vector<16xi32>], vector<16xf32>,
      %swap3A_385 = arith.index_cast %add3A_381 : i32 to index
      %swap3A_386 = tpu.vector_load %arg8[%swap3A_385] {strides = array<i32>} : memref<5120xf32, #tpu.memory_space<vmem>>, vector<16xf32>,
      tpu.vector_store %arg8[%swap3A_385], %gather3A_384 {strides = array<i32>} : memref<5120xf32, #tpu.memory_space<vmem>>, vector<16xf32>,
      %mul3A_387 = arith.constant 128 : i32
      %mul3A_388 = arith.muli %scan3A_325, %mul3A_387 : i32
      %add3A_389 = arith.constant 112 : i32
      %add3A_390 = arith.addi %mul3A_388, %add3A_389 : i32
      %get3A_391 = arith.index_cast %add3A_390 : i32 to index
      %get3A_392 = tpu.vector_load %arg6[%get3A_391] {strides = array<i32>} : memref<5120xi32, #tpu.memory_space<vmem>>, vector<16xi32>,
      %gather3A_393 = tpu.vector_load_idx %arg5[%get3A_392] : memref<100000xf32, #tpu.memory_space<vmem>>[vector<16xi32>], vector<16xf32>,
      %swap3A_394 = arith.index_cast %add3A_390 : i32 to index
      %swap3A_395 = tpu.vector_load %arg8[%swap3A_394] {strides = array<i32>} : memref<5120xf32, #tpu.memory_space<vmem>>, vector<16xf32>,
      tpu.vector_store %arg8[%swap3A_394], %gather3A_393 {strides = array<i32>} : memref<5120xf32, #tpu.memory_space<vmem>>, vector<16xf32>,
      %scan3A_396 = arith.constant 0 : i32
      scf.yield %scan3A_396 : i32
    }
    %scan3A_150 = arith.constant 40 : i32
    %mul3A_151 = arith.constant 51200 : i32
    %mul3A_152 = arith.muli %arg1, %mul3A_151 : i32
    %add3A_153 = arith.constant 20480 : i32
    %add3A_154 = arith.addi %mul3A_152, %add3A_153 : i32
    %dma_start3A_155 = tpu.memref_slice %arg4[%arg0, %add3A_154] : memref<2x819200xf32, #tpu.memory_space<hbm>> -> memref<1x5120xf32, #tpu.memory_space<hbm>>
    %dma_start3A_156 = tpu.memref_squeeze %dma_start3A_155 : memref<1x5120xf32, #tpu.memory_space<hbm>> -> memref<5120xf32, #tpu.memory_space<hbm>>
    %dma_start3A_157 = tpu.memref_slice %arg4[%arg0, %add3A_154] : memref<2x819200xf32, #tpu.memory_space<hbm>> -> memref<1x5120xf32, #tpu.memory_space<hbm>>
    %dma_start3A_158 = tpu.memref_squeeze %dma_start3A_157 : memref<1x5120xf32, #tpu.memory_space<hbm>> -> memref<5120xf32, #tpu.memory_space<hbm>>
    tpu.enqueue_dma source(%arg8 : memref<5120xf32, #tpu.memory_space<vmem>>) target(%dma_start3A_158 : memref<5120xf32, #tpu.memory_space<hbm>>) target_semaphore(%arg11 : memref<!tpu.dma_semaphore, #tpu.memory_space<semaphore_mem>>)
    %dma_start3A_159 = arith.constant 6 : i32
    %dma_start3A_160 = arith.constant 0 : i32
    %dma_start3A_161 = tpu.memref_slice %arg2[%arg1, %dma_start3A_159, %dma_start3A_160] : memref<16x10x5120xi32, #tpu.memory_space<hbm>> -> memref<1x1x5120xi32, #tpu.memory_space<hbm>>
    %dma_start3A_162 = tpu.memref_squeeze %dma_start3A_161 : memref<1x1x5120xi32, #tpu.memory_space<hbm>> -> memref<5120xi32, #tpu.memory_space<hbm>>
    %dma_start3A_163 = arith.constant 0 : i32
    %dma_start3A_164 = tpu.memref_slice %arg2[%arg1, %dma_start3A_159, %dma_start3A_163] : memref<16x10x5120xi32, #tpu.memory_space<hbm>> -> memref<1x1x5120xi32, #tpu.memory_space<hbm>>
    %dma_start3A_165 = tpu.memref_squeeze %dma_start3A_164 : memref<1x1x5120xi32, #tpu.memory_space<hbm>> -> memref<5120xi32, #tpu.memory_space<hbm>>
    tpu.enqueue_dma source(%dma_start3A_165 : memref<5120xi32, #tpu.memory_space<hbm>>) target(%arg6 : memref<5120xi32, #tpu.memory_space<vmem>>) target_semaphore(%arg10 : memref<!tpu.dma_semaphore, #tpu.memory_space<semaphore_mem>>)
    %dma_wait3A_166 = arith.constant 5 : i32
    %dma_wait3A_167 = arith.constant 0 : i32
    %dma_wait3A_168 = tpu.memref_slice %arg2[%arg1, %dma_wait3A_166, %dma_wait3A_167] : memref<16x10x5120xi32, #tpu.memory_space<hbm>> -> memref<1x1x5120xi32, #tpu.memory_space<hbm>>
    %dma_wait3A_169 = tpu.memref_squeeze %dma_wait3A_168 : memref<1x1x5120xi32, #tpu.memory_space<hbm>> -> memref<5120xi32, #tpu.memory_space<hbm>>
    %dma_wait3A_170 = arith.constant 0 : i32
    %dma_wait3A_171 = tpu.memref_slice %arg2[%arg1, %dma_wait3A_166, %dma_wait3A_170] : memref<16x10x5120xi32, #tpu.memory_space<hbm>> -> memref<1x1x5120xi32, #tpu.memory_space<hbm>>
    %dma_wait3A_172 = tpu.memref_squeeze %dma_wait3A_171 : memref<1x1x5120xi32, #tpu.memory_space<hbm>> -> memref<5120xi32, #tpu.memory_space<hbm>>
    tpu.wait_dma2 semaphore(%arg10 : memref<!tpu.dma_semaphore, #tpu.memory_space<semaphore_mem>>) src(%dma_wait3A_172 : memref<5120xi32, #tpu.memory_space<hbm>>) dst(%arg7 : memref<5120xi32, #tpu.memory_space<vmem>>)
    %dma_wait3A_173 = tpu.memref_slice %arg4[%arg0, %add3A_121] : memref<2x819200xf32, #tpu.memory_space<hbm>> -> memref<1x5120xf32, #tpu.memory_space<hbm>>
    %dma_wait3A_174 = tpu.memref_squeeze %dma_wait3A_173 : memref<1x5120xf32, #tpu.memory_space<hbm>> -> memref<5120xf32, #tpu.memory_space<hbm>>
    %dma_wait3A_175 = tpu.memref_slice %arg4[%arg0, %add3A_121] : memref<2x819200xf32, #tpu.memory_space<hbm>> -> memref<1x5120xf32, #tpu.memory_space<hbm>>
    %dma_wait3A_176 = tpu.memref_squeeze %dma_wait3A_175 : memref<1x5120xf32, #tpu.memory_space<hbm>> -> memref<5120xf32, #tpu.memory_space<hbm>>
    tpu.wait_dma2 semaphore(%arg11 : memref<!tpu.dma_semaphore, #tpu.memory_space<semaphore_mem>>) src(%arg9 : memref<5120xf32, #tpu.memory_space<vmem>>) dst(%dma_wait3A_176 : memref<5120xf32, #tpu.memory_space<hbm>>)
    %scan3A_177 = arith.constant 0 : i32
    %scan3A_178 = arith.constant 0 : i32
    %scan3A_179 = arith.constant 40 : i32
    %scan3A_180 = arith.addi %scan3A_178, %scan3A_179 : i32
    %scan3A_181 = arith.constant 1 : i32
    %scan3A_182 = scf.for %scan3A_325 = %scan3A_178 to %scan3A_180 step %scan3A_181 iter_args(%scan3A_326 = %scan3A_177) -> (i32)  : i32 {
      %mul3A_327 = arith.constant 128 : i32
      %mul3A_328 = arith.muli %scan3A_325, %mul3A_327 : i32
      %add3A_329 = arith.constant 0 : i32
      %add3A_330 = arith.addi %mul3A_328, %add3A_329 : i32
      %get3A = arith.index_cast %add3A_330 : i32 to index
      %get3A_331 = tpu.vector_load %arg7[%get3A] {strides = array<i32>} : memref<5120xi32, #tpu.memory_space<vmem>>, vector<16xi32>,
      %gather3A = tpu.vector_load_idx %arg5[%get3A_331] : memref<100000xf32, #tpu.memory_space<vmem>>[vector<16xi32>], vector<16xf32>,
      %swap3A = arith.index_cast %add3A_330 : i32 to index
      %swap3A_332 = tpu.vector_load %arg9[%swap3A] {strides = array<i32>} : memref<5120xf32, #tpu.memory_space<vmem>>, vector<16xf32>,
      tpu.vector_store %arg9[%swap3A], %gather3A {strides = array<i32>} : memref<5120xf32, #tpu.memory_space<vmem>>, vector<16xf32>,
      %mul3A_333 = arith.constant 128 : i32
      %mul3A_334 = arith.muli %scan3A_325, %mul3A_333 : i32
      %add3A_335 = arith.constant 16 : i32
      %add3A_336 = arith.addi %mul3A_334, %add3A_335 : i32
      %get3A_337 = arith.index_cast %add3A_336 : i32 to index
      %get3A_338 = tpu.vector_load %arg7[%get3A_337] {strides = array<i32>} : memref<5120xi32, #tpu.memory_space<vmem>>, vector<16xi32>,
      %gather3A_339 = tpu.vector_load_idx %arg5[%get3A_338] : memref<100000xf32, #tpu.memory_space<vmem>>[vector<16xi32>], vector<16xf32>,
      %swap3A_340 = arith.index_cast %add3A_336 : i32 to index
      %swap3A_341 = tpu.vector_load %arg9[%swap3A_340] {strides = array<i32>} : memref<5120xf32, #tpu.memory_space<vmem>>, vector<16xf32>,
      tpu.vector_store %arg9[%swap3A_340], %gather3A_339 {strides = array<i32>} : memref<5120xf32, #tpu.memory_space<vmem>>, vector<16xf32>,
      %mul3A_342 = arith.constant 128 : i32
      %mul3A_343 = arith.muli %scan3A_325, %mul3A_342 : i32
      %add3A_344 = arith.constant 32 : i32
      %add3A_345 = arith.addi %mul3A_343, %add3A_344 : i32
      %get3A_346 = arith.index_cast %add3A_345 : i32 to index
      %get3A_347 = tpu.vector_load %arg7[%get3A_346] {strides = array<i32>} : memref<5120xi32, #tpu.memory_space<vmem>>, vector<16xi32>,
      %gather3A_348 = tpu.vector_load_idx %arg5[%get3A_347] : memref<100000xf32, #tpu.memory_space<vmem>>[vector<16xi32>], vector<16xf32>,
      %swap3A_349 = arith.index_cast %add3A_345 : i32 to index
      %swap3A_350 = tpu.vector_load %arg9[%swap3A_349] {strides = array<i32>} : memref<5120xf32, #tpu.memory_space<vmem>>, vector<16xf32>,
      tpu.vector_store %arg9[%swap3A_349], %gather3A_348 {strides = array<i32>} : memref<5120xf32, #tpu.memory_space<vmem>>, vector<16xf32>,
      %mul3A_351 = arith.constant 128 : i32
      %mul3A_352 = arith.muli %scan3A_325, %mul3A_351 : i32
      %add3A_353 = arith.constant 48 : i32
      %add3A_354 = arith.addi %mul3A_352, %add3A_353 : i32
      %get3A_355 = arith.index_cast %add3A_354 : i32 to index
      %get3A_356 = tpu.vector_load %arg7[%get3A_355] {strides = array<i32>} : memref<5120xi32, #tpu.memory_space<vmem>>, vector<16xi32>,
      %gather3A_357 = tpu.vector_load_idx %arg5[%get3A_356] : memref<100000xf32, #tpu.memory_space<vmem>>[vector<16xi32>], vector<16xf32>,
      %swap3A_358 = arith.index_cast %add3A_354 : i32 to index
      %swap3A_359 = tpu.vector_load %arg9[%swap3A_358] {strides = array<i32>} : memref<5120xf32, #tpu.memory_space<vmem>>, vector<16xf32>,
      tpu.vector_store %arg9[%swap3A_358], %gather3A_357 {strides = array<i32>} : memref<5120xf32, #tpu.memory_space<vmem>>, vector<16xf32>,
      %mul3A_360 = arith.constant 128 : i32
      %mul3A_361 = arith.muli %scan3A_325, %mul3A_360 : i32
      %add3A_362 = arith.constant 64 : i32
      %add3A_363 = arith.addi %mul3A_361, %add3A_362 : i32
      %get3A_364 = arith.index_cast %add3A_363 : i32 to index
      %get3A_365 = tpu.vector_load %arg7[%get3A_364] {strides = array<i32>} : memref<5120xi32, #tpu.memory_space<vmem>>, vector<16xi32>,
      %gather3A_366 = tpu.vector_load_idx %arg5[%get3A_365] : memref<100000xf32, #tpu.memory_space<vmem>>[vector<16xi32>], vector<16xf32>,
      %swap3A_367 = arith.index_cast %add3A_363 : i32 to index
      %swap3A_368 = tpu.vector_load %arg9[%swap3A_367] {strides = array<i32>} : memref<5120xf32, #tpu.memory_space<vmem>>, vector<16xf32>,
      tpu.vector_store %arg9[%swap3A_367], %gather3A_366 {strides = array<i32>} : memref<5120xf32, #tpu.memory_space<vmem>>, vector<16xf32>,
      %mul3A_369 = arith.constant 128 : i32
      %mul3A_370 = arith.muli %scan3A_325, %mul3A_369 : i32
      %add3A_371 = arith.constant 80 : i32
      %add3A_372 = arith.addi %mul3A_370, %add3A_371 : i32
      %get3A_373 = arith.index_cast %add3A_372 : i32 to index
      %get3A_374 = tpu.vector_load %arg7[%get3A_373] {strides = array<i32>} : memref<5120xi32, #tpu.memory_space<vmem>>, vector<16xi32>,
      %gather3A_375 = tpu.vector_load_idx %arg5[%get3A_374] : memref<100000xf32, #tpu.memory_space<vmem>>[vector<16xi32>], vector<16xf32>,
      %swap3A_376 = arith.index_cast %add3A_372 : i32 to index
      %swap3A_377 = tpu.vector_load %arg9[%swap3A_376] {strides = array<i32>} : memref<5120xf32, #tpu.memory_space<vmem>>, vector<16xf32>,
      tpu.vector_store %arg9[%swap3A_376], %gather3A_375 {strides = array<i32>} : memref<5120xf32, #tpu.memory_space<vmem>>, vector<16xf32>,
      %mul3A_378 = arith.constant 128 : i32
      %mul3A_379 = arith.muli %scan3A_325, %mul3A_378 : i32
      %add3A_380 = arith.constant 96 : i32
      %add3A_381 = arith.addi %mul3A_379, %add3A_380 : i32
      %get3A_382 = arith.index_cast %add3A_381 : i32 to index
      %get3A_383 = tpu.vector_load %arg7[%get3A_382] {strides = array<i32>} : memref<5120xi32, #tpu.memory_space<vmem>>, vector<16xi32>,
      %gather3A_384 = tpu.vector_load_idx %arg5[%get3A_383] : memref<100000xf32, #tpu.memory_space<vmem>>[vector<16xi32>], vector<16xf32>,
      %swap3A_385 = arith.index_cast %add3A_381 : i32 to index
      %swap3A_386 = tpu.vector_load %arg9[%swap3A_385] {strides = array<i32>} : memref<5120xf32, #tpu.memory_space<vmem>>, vector<16xf32>,
      tpu.vector_store %arg9[%swap3A_385], %gather3A_384 {strides = array<i32>} : memref<5120xf32, #tpu.memory_space<vmem>>, vector<16xf32>,
      %mul3A_387 = arith.constant 128 : i32
      %mul3A_388 = arith.muli %scan3A_325, %mul3A_387 : i32
      %add3A_389 = arith.constant 112 : i32
      %add3A_390 = arith.addi %mul3A_388, %add3A_389 : i32
      %get3A_391 = arith.index_cast %add3A_390 : i32 to index
      %get3A_392 = tpu.vector_load %arg7[%get3A_391] {strides = array<i32>} : memref<5120xi32, #tpu.memory_space<vmem>>, vector<16xi32>,
      %gather3A_393 = tpu.vector_load_idx %arg5[%get3A_392] : memref<100000xf32, #tpu.memory_space<vmem>>[vector<16xi32>], vector<16xf32>,
      %swap3A_394 = arith.index_cast %add3A_390 : i32 to index
      %swap3A_395 = tpu.vector_load %arg9[%swap3A_394] {strides = array<i32>} : memref<5120xf32, #tpu.memory_space<vmem>>, vector<16xf32>,
      tpu.vector_store %arg9[%swap3A_394], %gather3A_393 {strides = array<i32>} : memref<5120xf32, #tpu.memory_space<vmem>>, vector<16xf32>,
      %scan3A_396 = arith.constant 0 : i32
      scf.yield %scan3A_396 : i32
    }
    %scan3A_183 = arith.constant 40 : i32
    %mul3A_184 = arith.constant 51200 : i32
    %mul3A_185 = arith.muli %arg1, %mul3A_184 : i32
    %add3A_186 = arith.constant 25600 : i32
    %add3A_187 = arith.addi %mul3A_185, %add3A_186 : i32
    %dma_start3A_188 = tpu.memref_slice %arg4[%arg0, %add3A_187] : memref<2x819200xf32, #tpu.memory_space<hbm>> -> memref<1x5120xf32, #tpu.memory_space<hbm>>
    %dma_start3A_189 = tpu.memref_squeeze %dma_start3A_188 : memref<1x5120xf32, #tpu.memory_space<hbm>> -> memref<5120xf32, #tpu.memory_space<hbm>>
    %dma_start3A_190 = tpu.memref_slice %arg4[%arg0, %add3A_187] : memref<2x819200xf32, #tpu.memory_space<hbm>> -> memref<1x5120xf32, #tpu.memory_space<hbm>>
    %dma_start3A_191 = tpu.memref_squeeze %dma_start3A_190 : memref<1x5120xf32, #tpu.memory_space<hbm>> -> memref<5120xf32, #tpu.memory_space<hbm>>
    tpu.enqueue_dma source(%arg9 : memref<5120xf32, #tpu.memory_space<vmem>>) target(%dma_start3A_191 : memref<5120xf32, #tpu.memory_space<hbm>>) target_semaphore(%arg11 : memref<!tpu.dma_semaphore, #tpu.memory_space<semaphore_mem>>)
    %dma_start3A_192 = arith.constant 7 : i32
    %dma_start3A_193 = arith.constant 0 : i32
    %dma_start3A_194 = tpu.memref_slice %arg2[%arg1, %dma_start3A_192, %dma_start3A_193] : memref<16x10x5120xi32, #tpu.memory_space<hbm>> -> memref<1x1x5120xi32, #tpu.memory_space<hbm>>
    %dma_start3A_195 = tpu.memref_squeeze %dma_start3A_194 : memref<1x1x5120xi32, #tpu.memory_space<hbm>> -> memref<5120xi32, #tpu.memory_space<hbm>>
    %dma_start3A_196 = arith.constant 0 : i32
    %dma_start3A_197 = tpu.memref_slice %arg2[%arg1, %dma_start3A_192, %dma_start3A_196] : memref<16x10x5120xi32, #tpu.memory_space<hbm>> -> memref<1x1x5120xi32, #tpu.memory_space<hbm>>
    %dma_start3A_198 = tpu.memref_squeeze %dma_start3A_197 : memref<1x1x5120xi32, #tpu.memory_space<hbm>> -> memref<5120xi32, #tpu.memory_space<hbm>>
    tpu.enqueue_dma source(%dma_start3A_198 : memref<5120xi32, #tpu.memory_space<hbm>>) target(%arg7 : memref<5120xi32, #tpu.memory_space<vmem>>) target_semaphore(%arg10 : memref<!tpu.dma_semaphore, #tpu.memory_space<semaphore_mem>>)
    %dma_wait3A_199 = arith.constant 6 : i32
    %dma_wait3A_200 = arith.constant 0 : i32
    %dma_wait3A_201 = tpu.memref_slice %arg2[%arg1, %dma_wait3A_199, %dma_wait3A_200] : memref<16x10x5120xi32, #tpu.memory_space<hbm>> -> memref<1x1x5120xi32, #tpu.memory_space<hbm>>
    %dma_wait3A_202 = tpu.memref_squeeze %dma_wait3A_201 : memref<1x1x5120xi32, #tpu.memory_space<hbm>> -> memref<5120xi32, #tpu.memory_space<hbm>>
    %dma_wait3A_203 = arith.constant 0 : i32
    %dma_wait3A_204 = tpu.memref_slice %arg2[%arg1, %dma_wait3A_199, %dma_wait3A_203] : memref<16x10x5120xi32, #tpu.memory_space<hbm>> -> memref<1x1x5120xi32, #tpu.memory_space<hbm>>
    %dma_wait3A_205 = tpu.memref_squeeze %dma_wait3A_204 : memref<1x1x5120xi32, #tpu.memory_space<hbm>> -> memref<5120xi32, #tpu.memory_space<hbm>>
    tpu.wait_dma2 semaphore(%arg10 : memref<!tpu.dma_semaphore, #tpu.memory_space<semaphore_mem>>) src(%dma_wait3A_205 : memref<5120xi32, #tpu.memory_space<hbm>>) dst(%arg6 : memref<5120xi32, #tpu.memory_space<vmem>>)
    %dma_wait3A_206 = tpu.memref_slice %arg4[%arg0, %add3A_154] : memref<2x819200xf32, #tpu.memory_space<hbm>> -> memref<1x5120xf32, #tpu.memory_space<hbm>>
    %dma_wait3A_207 = tpu.memref_squeeze %dma_wait3A_206 : memref<1x5120xf32, #tpu.memory_space<hbm>> -> memref<5120xf32, #tpu.memory_space<hbm>>
    %dma_wait3A_208 = tpu.memref_slice %arg4[%arg0, %add3A_154] : memref<2x819200xf32, #tpu.memory_space<hbm>> -> memref<1x5120xf32, #tpu.memory_space<hbm>>
    %dma_wait3A_209 = tpu.memref_squeeze %dma_wait3A_208 : memref<1x5120xf32, #tpu.memory_space<hbm>> -> memref<5120xf32, #tpu.memory_space<hbm>>
    tpu.wait_dma2 semaphore(%arg11 : memref<!tpu.dma_semaphore, #tpu.memory_space<semaphore_mem>>) src(%arg8 : memref<5120xf32, #tpu.memory_space<vmem>>) dst(%dma_wait3A_209 : memref<5120xf32, #tpu.memory_space<hbm>>)
    %scan3A_210 = arith.constant 0 : i32
    %scan3A_211 = arith.constant 0 : i32
    %scan3A_212 = arith.constant 40 : i32
    %scan3A_213 = arith.addi %scan3A_211, %scan3A_212 : i32
    %scan3A_214 = arith.constant 1 : i32
    %scan3A_215 = scf.for %scan3A_325 = %scan3A_211 to %scan3A_213 step %scan3A_214 iter_args(%scan3A_326 = %scan3A_210) -> (i32)  : i32 {
      %mul3A_327 = arith.constant 128 : i32
      %mul3A_328 = arith.muli %scan3A_325, %mul3A_327 : i32
      %add3A_329 = arith.constant 0 : i32
      %add3A_330 = arith.addi %mul3A_328, %add3A_329 : i32
      %get3A = arith.index_cast %add3A_330 : i32 to index
      %get3A_331 = tpu.vector_load %arg6[%get3A] {strides = array<i32>} : memref<5120xi32, #tpu.memory_space<vmem>>, vector<16xi32>,
      %gather3A = tpu.vector_load_idx %arg5[%get3A_331] : memref<100000xf32, #tpu.memory_space<vmem>>[vector<16xi32>], vector<16xf32>,
      %swap3A = arith.index_cast %add3A_330 : i32 to index
      %swap3A_332 = tpu.vector_load %arg8[%swap3A] {strides = array<i32>} : memref<5120xf32, #tpu.memory_space<vmem>>, vector<16xf32>,
      tpu.vector_store %arg8[%swap3A], %gather3A {strides = array<i32>} : memref<5120xf32, #tpu.memory_space<vmem>>, vector<16xf32>,
      %mul3A_333 = arith.constant 128 : i32
      %mul3A_334 = arith.muli %scan3A_325, %mul3A_333 : i32
      %add3A_335 = arith.constant 16 : i32
      %add3A_336 = arith.addi %mul3A_334, %add3A_335 : i32
      %get3A_337 = arith.index_cast %add3A_336 : i32 to index
      %get3A_338 = tpu.vector_load %arg6[%get3A_337] {strides = array<i32>} : memref<5120xi32, #tpu.memory_space<vmem>>, vector<16xi32>,
      %gather3A_339 = tpu.vector_load_idx %arg5[%get3A_338] : memref<100000xf32, #tpu.memory_space<vmem>>[vector<16xi32>], vector<16xf32>,
      %swap3A_340 = arith.index_cast %add3A_336 : i32 to index
      %swap3A_341 = tpu.vector_load %arg8[%swap3A_340] {strides = array<i32>} : memref<5120xf32, #tpu.memory_space<vmem>>, vector<16xf32>,
      tpu.vector_store %arg8[%swap3A_340], %gather3A_339 {strides = array<i32>} : memref<5120xf32, #tpu.memory_space<vmem>>, vector<16xf32>,
      %mul3A_342 = arith.constant 128 : i32
      %mul3A_343 = arith.muli %scan3A_325, %mul3A_342 : i32
      %add3A_344 = arith.constant 32 : i32
      %add3A_345 = arith.addi %mul3A_343, %add3A_344 : i32
      %get3A_346 = arith.index_cast %add3A_345 : i32 to index
      %get3A_347 = tpu.vector_load %arg6[%get3A_346] {strides = array<i32>} : memref<5120xi32, #tpu.memory_space<vmem>>, vector<16xi32>,
      %gather3A_348 = tpu.vector_load_idx %arg5[%get3A_347] : memref<100000xf32, #tpu.memory_space<vmem>>[vector<16xi32>], vector<16xf32>,
      %swap3A_349 = arith.index_cast %add3A_345 : i32 to index
      %swap3A_350 = tpu.vector_load %arg8[%swap3A_349] {strides = array<i32>} : memref<5120xf32, #tpu.memory_space<vmem>>, vector<16xf32>,
      tpu.vector_store %arg8[%swap3A_349], %gather3A_348 {strides = array<i32>} : memref<5120xf32, #tpu.memory_space<vmem>>, vector<16xf32>,
      %mul3A_351 = arith.constant 128 : i32
      %mul3A_352 = arith.muli %scan3A_325, %mul3A_351 : i32
      %add3A_353 = arith.constant 48 : i32
      %add3A_354 = arith.addi %mul3A_352, %add3A_353 : i32
      %get3A_355 = arith.index_cast %add3A_354 : i32 to index
      %get3A_356 = tpu.vector_load %arg6[%get3A_355] {strides = array<i32>} : memref<5120xi32, #tpu.memory_space<vmem>>, vector<16xi32>,
      %gather3A_357 = tpu.vector_load_idx %arg5[%get3A_356] : memref<100000xf32, #tpu.memory_space<vmem>>[vector<16xi32>], vector<16xf32>,
      %swap3A_358 = arith.index_cast %add3A_354 : i32 to index
      %swap3A_359 = tpu.vector_load %arg8[%swap3A_358] {strides = array<i32>} : memref<5120xf32, #tpu.memory_space<vmem>>, vector<16xf32>,
      tpu.vector_store %arg8[%swap3A_358], %gather3A_357 {strides = array<i32>} : memref<5120xf32, #tpu.memory_space<vmem>>, vector<16xf32>,
      %mul3A_360 = arith.constant 128 : i32
      %mul3A_361 = arith.muli %scan3A_325, %mul3A_360 : i32
      %add3A_362 = arith.constant 64 : i32
      %add3A_363 = arith.addi %mul3A_361, %add3A_362 : i32
      %get3A_364 = arith.index_cast %add3A_363 : i32 to index
      %get3A_365 = tpu.vector_load %arg6[%get3A_364] {strides = array<i32>} : memref<5120xi32, #tpu.memory_space<vmem>>, vector<16xi32>,
      %gather3A_366 = tpu.vector_load_idx %arg5[%get3A_365] : memref<100000xf32, #tpu.memory_space<vmem>>[vector<16xi32>], vector<16xf32>,
      %swap3A_367 = arith.index_cast %add3A_363 : i32 to index
      %swap3A_368 = tpu.vector_load %arg8[%swap3A_367] {strides = array<i32>} : memref<5120xf32, #tpu.memory_space<vmem>>, vector<16xf32>,
      tpu.vector_store %arg8[%swap3A_367], %gather3A_366 {strides = array<i32>} : memref<5120xf32, #tpu.memory_space<vmem>>, vector<16xf32>,
      %mul3A_369 = arith.constant 128 : i32
      %mul3A_370 = arith.muli %scan3A_325, %mul3A_369 : i32
      %add3A_371 = arith.constant 80 : i32
      %add3A_372 = arith.addi %mul3A_370, %add3A_371 : i32
      %get3A_373 = arith.index_cast %add3A_372 : i32 to index
      %get3A_374 = tpu.vector_load %arg6[%get3A_373] {strides = array<i32>} : memref<5120xi32, #tpu.memory_space<vmem>>, vector<16xi32>,
      %gather3A_375 = tpu.vector_load_idx %arg5[%get3A_374] : memref<100000xf32, #tpu.memory_space<vmem>>[vector<16xi32>], vector<16xf32>,
      %swap3A_376 = arith.index_cast %add3A_372 : i32 to index
      %swap3A_377 = tpu.vector_load %arg8[%swap3A_376] {strides = array<i32>} : memref<5120xf32, #tpu.memory_space<vmem>>, vector<16xf32>,
      tpu.vector_store %arg8[%swap3A_376], %gather3A_375 {strides = array<i32>} : memref<5120xf32, #tpu.memory_space<vmem>>, vector<16xf32>,
      %mul3A_378 = arith.constant 128 : i32
      %mul3A_379 = arith.muli %scan3A_325, %mul3A_378 : i32
      %add3A_380 = arith.constant 96 : i32
      %add3A_381 = arith.addi %mul3A_379, %add3A_380 : i32
      %get3A_382 = arith.index_cast %add3A_381 : i32 to index
      %get3A_383 = tpu.vector_load %arg6[%get3A_382] {strides = array<i32>} : memref<5120xi32, #tpu.memory_space<vmem>>, vector<16xi32>,
      %gather3A_384 = tpu.vector_load_idx %arg5[%get3A_383] : memref<100000xf32, #tpu.memory_space<vmem>>[vector<16xi32>], vector<16xf32>,
      %swap3A_385 = arith.index_cast %add3A_381 : i32 to index
      %swap3A_386 = tpu.vector_load %arg8[%swap3A_385] {strides = array<i32>} : memref<5120xf32, #tpu.memory_space<vmem>>, vector<16xf32>,
      tpu.vector_store %arg8[%swap3A_385], %gather3A_384 {strides = array<i32>} : memref<5120xf32, #tpu.memory_space<vmem>>, vector<16xf32>,
      %mul3A_387 = arith.constant 128 : i32
      %mul3A_388 = arith.muli %scan3A_325, %mul3A_387 : i32
      %add3A_389 = arith.constant 112 : i32
      %add3A_390 = arith.addi %mul3A_388, %add3A_389 : i32
      %get3A_391 = arith.index_cast %add3A_390 : i32 to index
      %get3A_392 = tpu.vector_load %arg6[%get3A_391] {strides = array<i32>} : memref<5120xi32, #tpu.memory_space<vmem>>, vector<16xi32>,
      %gather3A_393 = tpu.vector_load_idx %arg5[%get3A_392] : memref<100000xf32, #tpu.memory_space<vmem>>[vector<16xi32>], vector<16xf32>,
      %swap3A_394 = arith.index_cast %add3A_390 : i32 to index
      %swap3A_395 = tpu.vector_load %arg8[%swap3A_394] {strides = array<i32>} : memref<5120xf32, #tpu.memory_space<vmem>>, vector<16xf32>,
      tpu.vector_store %arg8[%swap3A_394], %gather3A_393 {strides = array<i32>} : memref<5120xf32, #tpu.memory_space<vmem>>, vector<16xf32>,
      %scan3A_396 = arith.constant 0 : i32
      scf.yield %scan3A_396 : i32
    }
    %scan3A_216 = arith.constant 40 : i32
    %mul3A_217 = arith.constant 51200 : i32
    %mul3A_218 = arith.muli %arg1, %mul3A_217 : i32
    %add3A_219 = arith.constant 30720 : i32
    %add3A_220 = arith.addi %mul3A_218, %add3A_219 : i32
    %dma_start3A_221 = tpu.memref_slice %arg4[%arg0, %add3A_220] : memref<2x819200xf32, #tpu.memory_space<hbm>> -> memref<1x5120xf32, #tpu.memory_space<hbm>>
    %dma_start3A_222 = tpu.memref_squeeze %dma_start3A_221 : memref<1x5120xf32, #tpu.memory_space<hbm>> -> memref<5120xf32, #tpu.memory_space<hbm>>
    %dma_start3A_223 = tpu.memref_slice %arg4[%arg0, %add3A_220] : memref<2x819200xf32, #tpu.memory_space<hbm>> -> memref<1x5120xf32, #tpu.memory_space<hbm>>
    %dma_start3A_224 = tpu.memref_squeeze %dma_start3A_223 : memref<1x5120xf32, #tpu.memory_space<hbm>> -> memref<5120xf32, #tpu.memory_space<hbm>>
    tpu.enqueue_dma source(%arg8 : memref<5120xf32, #tpu.memory_space<vmem>>) target(%dma_start3A_224 : memref<5120xf32, #tpu.memory_space<hbm>>) target_semaphore(%arg11 : memref<!tpu.dma_semaphore, #tpu.memory_space<semaphore_mem>>)
    %dma_start3A_225 = arith.constant 8 : i32
    %dma_start3A_226 = arith.constant 0 : i32
    %dma_start3A_227 = tpu.memref_slice %arg2[%arg1, %dma_start3A_225, %dma_start3A_226] : memref<16x10x5120xi32, #tpu.memory_space<hbm>> -> memref<1x1x5120xi32, #tpu.memory_space<hbm>>
    %dma_start3A_228 = tpu.memref_squeeze %dma_start3A_227 : memref<1x1x5120xi32, #tpu.memory_space<hbm>> -> memref<5120xi32, #tpu.memory_space<hbm>>
    %dma_start3A_229 = arith.constant 0 : i32
    %dma_start3A_230 = tpu.memref_slice %arg2[%arg1, %dma_start3A_225, %dma_start3A_229] : memref<16x10x5120xi32, #tpu.memory_space<hbm>> -> memref<1x1x5120xi32, #tpu.memory_space<hbm>>
    %dma_start3A_231 = tpu.memref_squeeze %dma_start3A_230 : memref<1x1x5120xi32, #tpu.memory_space<hbm>> -> memref<5120xi32, #tpu.memory_space<hbm>>
    tpu.enqueue_dma source(%dma_start3A_231 : memref<5120xi32, #tpu.memory_space<hbm>>) target(%arg6 : memref<5120xi32, #tpu.memory_space<vmem>>) target_semaphore(%arg10 : memref<!tpu.dma_semaphore, #tpu.memory_space<semaphore_mem>>)
    %dma_wait3A_232 = arith.constant 7 : i32
    %dma_wait3A_233 = arith.constant 0 : i32
    %dma_wait3A_234 = tpu.memref_slice %arg2[%arg1, %dma_wait3A_232, %dma_wait3A_233] : memref<16x10x5120xi32, #tpu.memory_space<hbm>> -> memref<1x1x5120xi32, #tpu.memory_space<hbm>>
    %dma_wait3A_235 = tpu.memref_squeeze %dma_wait3A_234 : memref<1x1x5120xi32, #tpu.memory_space<hbm>> -> memref<5120xi32, #tpu.memory_space<hbm>>
    %dma_wait3A_236 = arith.constant 0 : i32
    %dma_wait3A_237 = tpu.memref_slice %arg2[%arg1, %dma_wait3A_232, %dma_wait3A_236] : memref<16x10x5120xi32, #tpu.memory_space<hbm>> -> memref<1x1x5120xi32, #tpu.memory_space<hbm>>
    %dma_wait3A_238 = tpu.memref_squeeze %dma_wait3A_237 : memref<1x1x5120xi32, #tpu.memory_space<hbm>> -> memref<5120xi32, #tpu.memory_space<hbm>>
    tpu.wait_dma2 semaphore(%arg10 : memref<!tpu.dma_semaphore, #tpu.memory_space<semaphore_mem>>) src(%dma_wait3A_238 : memref<5120xi32, #tpu.memory_space<hbm>>) dst(%arg7 : memref<5120xi32, #tpu.memory_space<vmem>>)
    %dma_wait3A_239 = tpu.memref_slice %arg4[%arg0, %add3A_187] : memref<2x819200xf32, #tpu.memory_space<hbm>> -> memref<1x5120xf32, #tpu.memory_space<hbm>>
    %dma_wait3A_240 = tpu.memref_squeeze %dma_wait3A_239 : memref<1x5120xf32, #tpu.memory_space<hbm>> -> memref<5120xf32, #tpu.memory_space<hbm>>
    %dma_wait3A_241 = tpu.memref_slice %arg4[%arg0, %add3A_187] : memref<2x819200xf32, #tpu.memory_space<hbm>> -> memref<1x5120xf32, #tpu.memory_space<hbm>>
    %dma_wait3A_242 = tpu.memref_squeeze %dma_wait3A_241 : memref<1x5120xf32, #tpu.memory_space<hbm>> -> memref<5120xf32, #tpu.memory_space<hbm>>
    tpu.wait_dma2 semaphore(%arg11 : memref<!tpu.dma_semaphore, #tpu.memory_space<semaphore_mem>>) src(%arg9 : memref<5120xf32, #tpu.memory_space<vmem>>) dst(%dma_wait3A_242 : memref<5120xf32, #tpu.memory_space<hbm>>)
    %scan3A_243 = arith.constant 0 : i32
    %scan3A_244 = arith.constant 0 : i32
    %scan3A_245 = arith.constant 40 : i32
    %scan3A_246 = arith.addi %scan3A_244, %scan3A_245 : i32
    %scan3A_247 = arith.constant 1 : i32
    %scan3A_248 = scf.for %scan3A_325 = %scan3A_244 to %scan3A_246 step %scan3A_247 iter_args(%scan3A_326 = %scan3A_243) -> (i32)  : i32 {
      %mul3A_327 = arith.constant 128 : i32
      %mul3A_328 = arith.muli %scan3A_325, %mul3A_327 : i32
      %add3A_329 = arith.constant 0 : i32
      %add3A_330 = arith.addi %mul3A_328, %add3A_329 : i32
      %get3A = arith.index_cast %add3A_330 : i32 to index
      %get3A_331 = tpu.vector_load %arg7[%get3A] {strides = array<i32>} : memref<5120xi32, #tpu.memory_space<vmem>>, vector<16xi32>,
      %gather3A = tpu.vector_load_idx %arg5[%get3A_331] : memref<100000xf32, #tpu.memory_space<vmem>>[vector<16xi32>], vector<16xf32>,
      %swap3A = arith.index_cast %add3A_330 : i32 to index
      %swap3A_332 = tpu.vector_load %arg9[%swap3A] {strides = array<i32>} : memref<5120xf32, #tpu.memory_space<vmem>>, vector<16xf32>,
      tpu.vector_store %arg9[%swap3A], %gather3A {strides = array<i32>} : memref<5120xf32, #tpu.memory_space<vmem>>, vector<16xf32>,
      %mul3A_333 = arith.constant 128 : i32
      %mul3A_334 = arith.muli %scan3A_325, %mul3A_333 : i32
      %add3A_335 = arith.constant 16 : i32
      %add3A_336 = arith.addi %mul3A_334, %add3A_335 : i32
      %get3A_337 = arith.index_cast %add3A_336 : i32 to index
      %get3A_338 = tpu.vector_load %arg7[%get3A_337] {strides = array<i32>} : memref<5120xi32, #tpu.memory_space<vmem>>, vector<16xi32>,
      %gather3A_339 = tpu.vector_load_idx %arg5[%get3A_338] : memref<100000xf32, #tpu.memory_space<vmem>>[vector<16xi32>], vector<16xf32>,
      %swap3A_340 = arith.index_cast %add3A_336 : i32 to index
      %swap3A_341 = tpu.vector_load %arg9[%swap3A_340] {strides = array<i32>} : memref<5120xf32, #tpu.memory_space<vmem>>, vector<16xf32>,
      tpu.vector_store %arg9[%swap3A_340], %gather3A_339 {strides = array<i32>} : memref<5120xf32, #tpu.memory_space<vmem>>, vector<16xf32>,
      %mul3A_342 = arith.constant 128 : i32
      %mul3A_343 = arith.muli %scan3A_325, %mul3A_342 : i32
      %add3A_344 = arith.constant 32 : i32
      %add3A_345 = arith.addi %mul3A_343, %add3A_344 : i32
      %get3A_346 = arith.index_cast %add3A_345 : i32 to index
      %get3A_347 = tpu.vector_load %arg7[%get3A_346] {strides = array<i32>} : memref<5120xi32, #tpu.memory_space<vmem>>, vector<16xi32>,
      %gather3A_348 = tpu.vector_load_idx %arg5[%get3A_347] : memref<100000xf32, #tpu.memory_space<vmem>>[vector<16xi32>], vector<16xf32>,
      %swap3A_349 = arith.index_cast %add3A_345 : i32 to index
      %swap3A_350 = tpu.vector_load %arg9[%swap3A_349] {strides = array<i32>} : memref<5120xf32, #tpu.memory_space<vmem>>, vector<16xf32>,
      tpu.vector_store %arg9[%swap3A_349], %gather3A_348 {strides = array<i32>} : memref<5120xf32, #tpu.memory_space<vmem>>, vector<16xf32>,
      %mul3A_351 = arith.constant 128 : i32
      %mul3A_352 = arith.muli %scan3A_325, %mul3A_351 : i32
      %add3A_353 = arith.constant 48 : i32
      %add3A_354 = arith.addi %mul3A_352, %add3A_353 : i32
      %get3A_355 = arith.index_cast %add3A_354 : i32 to index
      %get3A_356 = tpu.vector_load %arg7[%get3A_355] {strides = array<i32>} : memref<5120xi32, #tpu.memory_space<vmem>>, vector<16xi32>,
      %gather3A_357 = tpu.vector_load_idx %arg5[%get3A_356] : memref<100000xf32, #tpu.memory_space<vmem>>[vector<16xi32>], vector<16xf32>,
      %swap3A_358 = arith.index_cast %add3A_354 : i32 to index
      %swap3A_359 = tpu.vector_load %arg9[%swap3A_358] {strides = array<i32>} : memref<5120xf32, #tpu.memory_space<vmem>>, vector<16xf32>,
      tpu.vector_store %arg9[%swap3A_358], %gather3A_357 {strides = array<i32>} : memref<5120xf32, #tpu.memory_space<vmem>>, vector<16xf32>,
      %mul3A_360 = arith.constant 128 : i32
      %mul3A_361 = arith.muli %scan3A_325, %mul3A_360 : i32
      %add3A_362 = arith.constant 64 : i32
      %add3A_363 = arith.addi %mul3A_361, %add3A_362 : i32
      %get3A_364 = arith.index_cast %add3A_363 : i32 to index
      %get3A_365 = tpu.vector_load %arg7[%get3A_364] {strides = array<i32>} : memref<5120xi32, #tpu.memory_space<vmem>>, vector<16xi32>,
      %gather3A_366 = tpu.vector_load_idx %arg5[%get3A_365] : memref<100000xf32, #tpu.memory_space<vmem>>[vector<16xi32>], vector<16xf32>,
      %swap3A_367 = arith.index_cast %add3A_363 : i32 to index
      %swap3A_368 = tpu.vector_load %arg9[%swap3A_367] {strides = array<i32>} : memref<5120xf32, #tpu.memory_space<vmem>>, vector<16xf32>,
      tpu.vector_store %arg9[%swap3A_367], %gather3A_366 {strides = array<i32>} : memref<5120xf32, #tpu.memory_space<vmem>>, vector<16xf32>,
      %mul3A_369 = arith.constant 128 : i32
      %mul3A_370 = arith.muli %scan3A_325, %mul3A_369 : i32
      %add3A_371 = arith.constant 80 : i32
      %add3A_372 = arith.addi %mul3A_370, %add3A_371 : i32
      %get3A_373 = arith.index_cast %add3A_372 : i32 to index
      %get3A_374 = tpu.vector_load %arg7[%get3A_373] {strides = array<i32>} : memref<5120xi32, #tpu.memory_space<vmem>>, vector<16xi32>,
      %gather3A_375 = tpu.vector_load_idx %arg5[%get3A_374] : memref<100000xf32, #tpu.memory_space<vmem>>[vector<16xi32>], vector<16xf32>,
      %swap3A_376 = arith.index_cast %add3A_372 : i32 to index
      %swap3A_377 = tpu.vector_load %arg9[%swap3A_376] {strides = array<i32>} : memref<5120xf32, #tpu.memory_space<vmem>>, vector<16xf32>,
      tpu.vector_store %arg9[%swap3A_376], %gather3A_375 {strides = array<i32>} : memref<5120xf32, #tpu.memory_space<vmem>>, vector<16xf32>,
      %mul3A_378 = arith.constant 128 : i32
      %mul3A_379 = arith.muli %scan3A_325, %mul3A_378 : i32
      %add3A_380 = arith.constant 96 : i32
      %add3A_381 = arith.addi %mul3A_379, %add3A_380 : i32
      %get3A_382 = arith.index_cast %add3A_381 : i32 to index
      %get3A_383 = tpu.vector_load %arg7[%get3A_382] {strides = array<i32>} : memref<5120xi32, #tpu.memory_space<vmem>>, vector<16xi32>,
      %gather3A_384 = tpu.vector_load_idx %arg5[%get3A_383] : memref<100000xf32, #tpu.memory_space<vmem>>[vector<16xi32>], vector<16xf32>,
      %swap3A_385 = arith.index_cast %add3A_381 : i32 to index
      %swap3A_386 = tpu.vector_load %arg9[%swap3A_385] {strides = array<i32>} : memref<5120xf32, #tpu.memory_space<vmem>>, vector<16xf32>,
      tpu.vector_store %arg9[%swap3A_385], %gather3A_384 {strides = array<i32>} : memref<5120xf32, #tpu.memory_space<vmem>>, vector<16xf32>,
      %mul3A_387 = arith.constant 128 : i32
      %mul3A_388 = arith.muli %scan3A_325, %mul3A_387 : i32
      %add3A_389 = arith.constant 112 : i32
      %add3A_390 = arith.addi %mul3A_388, %add3A_389 : i32
      %get3A_391 = arith.index_cast %add3A_390 : i32 to index
      %get3A_392 = tpu.vector_load %arg7[%get3A_391] {strides = array<i32>} : memref<5120xi32, #tpu.memory_space<vmem>>, vector<16xi32>,
      %gather3A_393 = tpu.vector_load_idx %arg5[%get3A_392] : memref<100000xf32, #tpu.memory_space<vmem>>[vector<16xi32>], vector<16xf32>,
      %swap3A_394 = arith.index_cast %add3A_390 : i32 to index
      %swap3A_395 = tpu.vector_load %arg9[%swap3A_394] {strides = array<i32>} : memref<5120xf32, #tpu.memory_space<vmem>>, vector<16xf32>,
      tpu.vector_store %arg9[%swap3A_394], %gather3A_393 {strides = array<i32>} : memref<5120xf32, #tpu.memory_space<vmem>>, vector<16xf32>,
      %scan3A_396 = arith.constant 0 : i32
      scf.yield %scan3A_396 : i32
    }
    %scan3A_249 = arith.constant 40 : i32
    %mul3A_250 = arith.constant 51200 : i32
    %mul3A_251 = arith.muli %arg1, %mul3A_250 : i32
    %add3A_252 = arith.constant 35840 : i32
    %add3A_253 = arith.addi %mul3A_251, %add3A_252 : i32
    %dma_start3A_254 = tpu.memref_slice %arg4[%arg0, %add3A_253] : memref<2x819200xf32, #tpu.memory_space<hbm>> -> memref<1x5120xf32, #tpu.memory_space<hbm>>
    %dma_start3A_255 = tpu.memref_squeeze %dma_start3A_254 : memref<1x5120xf32, #tpu.memory_space<hbm>> -> memref<5120xf32, #tpu.memory_space<hbm>>
    %dma_start3A_256 = tpu.memref_slice %arg4[%arg0, %add3A_253] : memref<2x819200xf32, #tpu.memory_space<hbm>> -> memref<1x5120xf32, #tpu.memory_space<hbm>>
    %dma_start3A_257 = tpu.memref_squeeze %dma_start3A_256 : memref<1x5120xf32, #tpu.memory_space<hbm>> -> memref<5120xf32, #tpu.memory_space<hbm>>
    tpu.enqueue_dma source(%arg9 : memref<5120xf32, #tpu.memory_space<vmem>>) target(%dma_start3A_257 : memref<5120xf32, #tpu.memory_space<hbm>>) target_semaphore(%arg11 : memref<!tpu.dma_semaphore, #tpu.memory_space<semaphore_mem>>)
    %dma_start3A_258 = arith.constant 9 : i32
    %dma_start3A_259 = arith.constant 0 : i32
    %dma_start3A_260 = tpu.memref_slice %arg2[%arg1, %dma_start3A_258, %dma_start3A_259] : memref<16x10x5120xi32, #tpu.memory_space<hbm>> -> memref<1x1x5120xi32, #tpu.memory_space<hbm>>
    %dma_start3A_261 = tpu.memref_squeeze %dma_start3A_260 : memref<1x1x5120xi32, #tpu.memory_space<hbm>> -> memref<5120xi32, #tpu.memory_space<hbm>>
    %dma_start3A_262 = arith.constant 0 : i32
    %dma_start3A_263 = tpu.memref_slice %arg2[%arg1, %dma_start3A_258, %dma_start3A_262] : memref<16x10x5120xi32, #tpu.memory_space<hbm>> -> memref<1x1x5120xi32, #tpu.memory_space<hbm>>
    %dma_start3A_264 = tpu.memref_squeeze %dma_start3A_263 : memref<1x1x5120xi32, #tpu.memory_space<hbm>> -> memref<5120xi32, #tpu.memory_space<hbm>>
    tpu.enqueue_dma source(%dma_start3A_264 : memref<5120xi32, #tpu.memory_space<hbm>>) target(%arg7 : memref<5120xi32, #tpu.memory_space<vmem>>) target_semaphore(%arg10 : memref<!tpu.dma_semaphore, #tpu.memory_space<semaphore_mem>>)
    %dma_wait3A_265 = arith.constant 8 : i32
    %dma_wait3A_266 = arith.constant 0 : i32
    %dma_wait3A_267 = tpu.memref_slice %arg2[%arg1, %dma_wait3A_265, %dma_wait3A_266] : memref<16x10x5120xi32, #tpu.memory_space<hbm>> -> memref<1x1x5120xi32, #tpu.memory_space<hbm>>
    %dma_wait3A_268 = tpu.memref_squeeze %dma_wait3A_267 : memref<1x1x5120xi32, #tpu.memory_space<hbm>> -> memref<5120xi32, #tpu.memory_space<hbm>>
    %dma_wait3A_269 = arith.constant 0 : i32
    %dma_wait3A_270 = tpu.memref_slice %arg2[%arg1, %dma_wait3A_265, %dma_wait3A_269] : memref<16x10x5120xi32, #tpu.memory_space<hbm>> -> memref<1x1x5120xi32, #tpu.memory_space<hbm>>
    %dma_wait3A_271 = tpu.memref_squeeze %dma_wait3A_270 : memref<1x1x5120xi32, #tpu.memory_space<hbm>> -> memref<5120xi32, #tpu.memory_space<hbm>>
    tpu.wait_dma2 semaphore(%arg10 : memref<!tpu.dma_semaphore, #tpu.memory_space<semaphore_mem>>) src(%dma_wait3A_271 : memref<5120xi32, #tpu.memory_space<hbm>>) dst(%arg6 : memref<5120xi32, #tpu.memory_space<vmem>>)
    %dma_wait3A_272 = tpu.memref_slice %arg4[%arg0, %add3A_220] : memref<2x819200xf32, #tpu.memory_space<hbm>> -> memref<1x5120xf32, #tpu.memory_space<hbm>>
    %dma_wait3A_273 = tpu.memref_squeeze %dma_wait3A_272 : memref<1x5120xf32, #tpu.memory_space<hbm>> -> memref<5120xf32, #tpu.memory_space<hbm>>
    %dma_wait3A_274 = tpu.memref_slice %arg4[%arg0, %add3A_220] : memref<2x819200xf32, #tpu.memory_space<hbm>> -> memref<1x5120xf32, #tpu.memory_space<hbm>>
    %dma_wait3A_275 = tpu.memref_squeeze %dma_wait3A_274 : memref<1x5120xf32, #tpu.memory_space<hbm>> -> memref<5120xf32, #tpu.memory_space<hbm>>
    tpu.wait_dma2 semaphore(%arg11 : memref<!tpu.dma_semaphore, #tpu.memory_space<semaphore_mem>>) src(%arg8 : memref<5120xf32, #tpu.memory_space<vmem>>) dst(%dma_wait3A_275 : memref<5120xf32, #tpu.memory_space<hbm>>)
    %scan3A_276 = arith.constant 0 : i32
    %scan3A_277 = arith.constant 0 : i32
    %scan3A_278 = arith.constant 40 : i32
    %scan3A_279 = arith.addi %scan3A_277, %scan3A_278 : i32
    %scan3A_280 = arith.constant 1 : i32
    %scan3A_281 = scf.for %scan3A_325 = %scan3A_277 to %scan3A_279 step %scan3A_280 iter_args(%scan3A_326 = %scan3A_276) -> (i32)  : i32 {
      %mul3A_327 = arith.constant 128 : i32
      %mul3A_328 = arith.muli %scan3A_325, %mul3A_327 : i32
      %add3A_329 = arith.constant 0 : i32
      %add3A_330 = arith.addi %mul3A_328, %add3A_329 : i32
      %get3A = arith.index_cast %add3A_330 : i32 to index
      %get3A_331 = tpu.vector_load %arg6[%get3A] {strides = array<i32>} : memref<5120xi32, #tpu.memory_space<vmem>>, vector<16xi32>,
      %gather3A = tpu.vector_load_idx %arg5[%get3A_331] : memref<100000xf32, #tpu.memory_space<vmem>>[vector<16xi32>], vector<16xf32>,
      %swap3A = arith.index_cast %add3A_330 : i32 to index
      %swap3A_332 = tpu.vector_load %arg8[%swap3A] {strides = array<i32>} : memref<5120xf32, #tpu.memory_space<vmem>>, vector<16xf32>,
      tpu.vector_store %arg8[%swap3A], %gather3A {strides = array<i32>} : memref<5120xf32, #tpu.memory_space<vmem>>, vector<16xf32>,
      %mul3A_333 = arith.constant 128 : i32
      %mul3A_334 = arith.muli %scan3A_325, %mul3A_333 : i32
      %add3A_335 = arith.constant 16 : i32
      %add3A_336 = arith.addi %mul3A_334, %add3A_335 : i32
      %get3A_337 = arith.index_cast %add3A_336 : i32 to index
      %get3A_338 = tpu.vector_load %arg6[%get3A_337] {strides = array<i32>} : memref<5120xi32, #tpu.memory_space<vmem>>, vector<16xi32>,
      %gather3A_339 = tpu.vector_load_idx %arg5[%get3A_338] : memref<100000xf32, #tpu.memory_space<vmem>>[vector<16xi32>], vector<16xf32>,
      %swap3A_340 = arith.index_cast %add3A_336 : i32 to index
      %swap3A_341 = tpu.vector_load %arg8[%swap3A_340] {strides = array<i32>} : memref<5120xf32, #tpu.memory_space<vmem>>, vector<16xf32>,
      tpu.vector_store %arg8[%swap3A_340], %gather3A_339 {strides = array<i32>} : memref<5120xf32, #tpu.memory_space<vmem>>, vector<16xf32>,
      %mul3A_342 = arith.constant 128 : i32
      %mul3A_343 = arith.muli %scan3A_325, %mul3A_342 : i32
      %add3A_344 = arith.constant 32 : i32
      %add3A_345 = arith.addi %mul3A_343, %add3A_344 : i32
      %get3A_346 = arith.index_cast %add3A_345 : i32 to index
      %get3A_347 = tpu.vector_load %arg6[%get3A_346] {strides = array<i32>} : memref<5120xi32, #tpu.memory_space<vmem>>, vector<16xi32>,
      %gather3A_348 = tpu.vector_load_idx %arg5[%get3A_347] : memref<100000xf32, #tpu.memory_space<vmem>>[vector<16xi32>], vector<16xf32>,
      %swap3A_349 = arith.index_cast %add3A_345 : i32 to index
      %swap3A_350 = tpu.vector_load %arg8[%swap3A_349] {strides = array<i32>} : memref<5120xf32, #tpu.memory_space<vmem>>, vector<16xf32>,
      tpu.vector_store %arg8[%swap3A_349], %gather3A_348 {strides = array<i32>} : memref<5120xf32, #tpu.memory_space<vmem>>, vector<16xf32>,
      %mul3A_351 = arith.constant 128 : i32
      %mul3A_352 = arith.muli %scan3A_325, %mul3A_351 : i32
      %add3A_353 = arith.constant 48 : i32
      %add3A_354 = arith.addi %mul3A_352, %add3A_353 : i32
      %get3A_355 = arith.index_cast %add3A_354 : i32 to index
      %get3A_356 = tpu.vector_load %arg6[%get3A_355] {strides = array<i32>} : memref<5120xi32, #tpu.memory_space<vmem>>, vector<16xi32>,
      %gather3A_357 = tpu.vector_load_idx %arg5[%get3A_356] : memref<100000xf32, #tpu.memory_space<vmem>>[vector<16xi32>], vector<16xf32>,
      %swap3A_358 = arith.index_cast %add3A_354 : i32 to index
      %swap3A_359 = tpu.vector_load %arg8[%swap3A_358] {strides = array<i32>} : memref<5120xf32, #tpu.memory_space<vmem>>, vector<16xf32>,
      tpu.vector_store %arg8[%swap3A_358], %gather3A_357 {strides = array<i32>} : memref<5120xf32, #tpu.memory_space<vmem>>, vector<16xf32>,
      %mul3A_360 = arith.constant 128 : i32
      %mul3A_361 = arith.muli %scan3A_325, %mul3A_360 : i32
      %add3A_362 = arith.constant 64 : i32
      %add3A_363 = arith.addi %mul3A_361, %add3A_362 : i32
      %get3A_364 = arith.index_cast %add3A_363 : i32 to index
      %get3A_365 = tpu.vector_load %arg6[%get3A_364] {strides = array<i32>} : memref<5120xi32, #tpu.memory_space<vmem>>, vector<16xi32>,
      %gather3A_366 = tpu.vector_load_idx %arg5[%get3A_365] : memref<100000xf32, #tpu.memory_space<vmem>>[vector<16xi32>], vector<16xf32>,
      %swap3A_367 = arith.index_cast %add3A_363 : i32 to index
      %swap3A_368 = tpu.vector_load %arg8[%swap3A_367] {strides = array<i32>} : memref<5120xf32, #tpu.memory_space<vmem>>, vector<16xf32>,
      tpu.vector_store %arg8[%swap3A_367], %gather3A_366 {strides = array<i32>} : memref<5120xf32, #tpu.memory_space<vmem>>, vector<16xf32>,
      %mul3A_369 = arith.constant 128 : i32
      %mul3A_370 = arith.muli %scan3A_325, %mul3A_369 : i32
      %add3A_371 = arith.constant 80 : i32
      %add3A_372 = arith.addi %mul3A_370, %add3A_371 : i32
      %get3A_373 = arith.index_cast %add3A_372 : i32 to index
      %get3A_374 = tpu.vector_load %arg6[%get3A_373] {strides = array<i32>} : memref<5120xi32, #tpu.memory_space<vmem>>, vector<16xi32>,
      %gather3A_375 = tpu.vector_load_idx %arg5[%get3A_374] : memref<100000xf32, #tpu.memory_space<vmem>>[vector<16xi32>], vector<16xf32>,
      %swap3A_376 = arith.index_cast %add3A_372 : i32 to index
      %swap3A_377 = tpu.vector_load %arg8[%swap3A_376] {strides = array<i32>} : memref<5120xf32, #tpu.memory_space<vmem>>, vector<16xf32>,
      tpu.vector_store %arg8[%swap3A_376], %gather3A_375 {strides = array<i32>} : memref<5120xf32, #tpu.memory_space<vmem>>, vector<16xf32>,
      %mul3A_378 = arith.constant 128 : i32
      %mul3A_379 = arith.muli %scan3A_325, %mul3A_378 : i32
      %add3A_380 = arith.constant 96 : i32
      %add3A_381 = arith.addi %mul3A_379, %add3A_380 : i32
      %get3A_382 = arith.index_cast %add3A_381 : i32 to index
      %get3A_383 = tpu.vector_load %arg6[%get3A_382] {strides = array<i32>} : memref<5120xi32, #tpu.memory_space<vmem>>, vector<16xi32>,
      %gather3A_384 = tpu.vector_load_idx %arg5[%get3A_383] : memref<100000xf32, #tpu.memory_space<vmem>>[vector<16xi32>], vector<16xf32>,
      %swap3A_385 = arith.index_cast %add3A_381 : i32 to index
      %swap3A_386 = tpu.vector_load %arg8[%swap3A_385] {strides = array<i32>} : memref<5120xf32, #tpu.memory_space<vmem>>, vector<16xf32>,
      tpu.vector_store %arg8[%swap3A_385], %gather3A_384 {strides = array<i32>} : memref<5120xf32, #tpu.memory_space<vmem>>, vector<16xf32>,
      %mul3A_387 = arith.constant 128 : i32
      %mul3A_388 = arith.muli %scan3A_325, %mul3A_387 : i32
      %add3A_389 = arith.constant 112 : i32
      %add3A_390 = arith.addi %mul3A_388, %add3A_389 : i32
      %get3A_391 = arith.index_cast %add3A_390 : i32 to index
      %get3A_392 = tpu.vector_load %arg6[%get3A_391] {strides = array<i32>} : memref<5120xi32, #tpu.memory_space<vmem>>, vector<16xi32>,
      %gather3A_393 = tpu.vector_load_idx %arg5[%get3A_392] : memref<100000xf32, #tpu.memory_space<vmem>>[vector<16xi32>], vector<16xf32>,
      %swap3A_394 = arith.index_cast %add3A_390 : i32 to index
      %swap3A_395 = tpu.vector_load %arg8[%swap3A_394] {strides = array<i32>} : memref<5120xf32, #tpu.memory_space<vmem>>, vector<16xf32>,
      tpu.vector_store %arg8[%swap3A_394], %gather3A_393 {strides = array<i32>} : memref<5120xf32, #tpu.memory_space<vmem>>, vector<16xf32>,
      %scan3A_396 = arith.constant 0 : i32
      scf.yield %scan3A_396 : i32
    }
    %scan3A_282 = arith.constant 40 : i32
    %mul3A_283 = arith.constant 51200 : i32
    %mul3A_284 = arith.muli %arg1, %mul3A_283 : i32
    %add3A_285 = arith.constant 40960 : i32
    %add3A_286 = arith.addi %mul3A_284, %add3A_285 : i32
    %dma_start3A_287 = tpu.memref_slice %arg4[%arg0, %add3A_286] : memref<2x819200xf32, #tpu.memory_space<hbm>> -> memref<1x5120xf32, #tpu.memory_space<hbm>>
    %dma_start3A_288 = tpu.memref_squeeze %dma_start3A_287 : memref<1x5120xf32, #tpu.memory_space<hbm>> -> memref<5120xf32, #tpu.memory_space<hbm>>
    %dma_start3A_289 = tpu.memref_slice %arg4[%arg0, %add3A_286] : memref<2x819200xf32, #tpu.memory_space<hbm>> -> memref<1x5120xf32, #tpu.memory_space<hbm>>
    %dma_start3A_290 = tpu.memref_squeeze %dma_start3A_289 : memref<1x5120xf32, #tpu.memory_space<hbm>> -> memref<5120xf32, #tpu.memory_space<hbm>>
    tpu.enqueue_dma source(%arg8 : memref<5120xf32, #tpu.memory_space<vmem>>) target(%dma_start3A_290 : memref<5120xf32, #tpu.memory_space<hbm>>) target_semaphore(%arg11 : memref<!tpu.dma_semaphore, #tpu.memory_space<semaphore_mem>>)
    %dma_wait3A_291 = arith.constant 9 : i32
    %dma_wait3A_292 = arith.constant 0 : i32
    %dma_wait3A_293 = tpu.memref_slice %arg2[%arg1, %dma_wait3A_291, %dma_wait3A_292] : memref<16x10x5120xi32, #tpu.memory_space<hbm>> -> memref<1x1x5120xi32, #tpu.memory_space<hbm>>
    %dma_wait3A_294 = tpu.memref_squeeze %dma_wait3A_293 : memref<1x1x5120xi32, #tpu.memory_space<hbm>> -> memref<5120xi32, #tpu.memory_space<hbm>>
    %dma_wait3A_295 = arith.constant 0 : i32
    %dma_wait3A_296 = tpu.memref_slice %arg2[%arg1, %dma_wait3A_291, %dma_wait3A_295] : memref<16x10x5120xi32, #tpu.memory_space<hbm>> -> memref<1x1x5120xi32, #tpu.memory_space<hbm>>
    %dma_wait3A_297 = tpu.memref_squeeze %dma_wait3A_296 : memref<1x1x5120xi32, #tpu.memory_space<hbm>> -> memref<5120xi32, #tpu.memory_space<hbm>>
    tpu.wait_dma2 semaphore(%arg10 : memref<!tpu.dma_semaphore, #tpu.memory_space<semaphore_mem>>) src(%dma_wait3A_297 : memref<5120xi32, #tpu.memory_space<hbm>>) dst(%arg7 : memref<5120xi32, #tpu.memory_space<vmem>>)
    %dma_wait3A_298 = tpu.memref_slice %arg4[%arg0, %add3A_253] : memref<2x819200xf32, #tpu.memory_space<hbm>> -> memref<1x5120xf32, #tpu.memory_space<hbm>>
    %dma_wait3A_299 = tpu.memref_squeeze %dma_wait3A_298 : memref<1x5120xf32, #tpu.memory_space<hbm>> -> memref<5120xf32, #tpu.memory_space<hbm>>
    %dma_wait3A_300 = tpu.memref_slice %arg4[%arg0, %add3A_253] : memref<2x819200xf32, #tpu.memory_space<hbm>> -> memref<1x5120xf32, #tpu.memory_space<hbm>>
    %dma_wait3A_301 = tpu.memref_squeeze %dma_wait3A_300 : memref<1x5120xf32, #tpu.memory_space<hbm>> -> memref<5120xf32, #tpu.memory_space<hbm>>
    tpu.wait_dma2 semaphore(%arg11 : memref<!tpu.dma_semaphore, #tpu.memory_space<semaphore_mem>>) src(%arg9 : memref<5120xf32, #tpu.memory_space<vmem>>) dst(%dma_wait3A_301 : memref<5120xf32, #tpu.memory_space<hbm>>)
    %scan3A_302 = arith.constant 0 : i32
    %scan3A_303 = arith.constant 0 : i32
    %scan3A_304 = arith.constant 40 : i32
    %scan3A_305 = arith.addi %scan3A_303, %scan3A_304 : i32
    %scan3A_306 = arith.constant 1 : i32
    %scan3A_307 = scf.for %scan3A_325 = %scan3A_303 to %scan3A_305 step %scan3A_306 iter_args(%scan3A_326 = %scan3A_302) -> (i32)  : i32 {
      %mul3A_327 = arith.constant 128 : i32
      %mul3A_328 = arith.muli %scan3A_325, %mul3A_327 : i32
      %add3A_329 = arith.constant 0 : i32
      %add3A_330 = arith.addi %mul3A_328, %add3A_329 : i32
      %get3A = arith.index_cast %add3A_330 : i32 to index
      %get3A_331 = tpu.vector_load %arg7[%get3A] {strides = array<i32>} : memref<5120xi32, #tpu.memory_space<vmem>>, vector<16xi32>,
      %gather3A = tpu.vector_load_idx %arg5[%get3A_331] : memref<100000xf32, #tpu.memory_space<vmem>>[vector<16xi32>], vector<16xf32>,
      %swap3A = arith.index_cast %add3A_330 : i32 to index
      %swap3A_332 = tpu.vector_load %arg9[%swap3A] {strides = array<i32>} : memref<5120xf32, #tpu.memory_space<vmem>>, vector<16xf32>,
      tpu.vector_store %arg9[%swap3A], %gather3A {strides = array<i32>} : memref<5120xf32, #tpu.memory_space<vmem>>, vector<16xf32>,
      %mul3A_333 = arith.constant 128 : i32
      %mul3A_334 = arith.muli %scan3A_325, %mul3A_333 : i32
      %add3A_335 = arith.constant 16 : i32
      %add3A_336 = arith.addi %mul3A_334, %add3A_335 : i32
      %get3A_337 = arith.index_cast %add3A_336 : i32 to index
      %get3A_338 = tpu.vector_load %arg7[%get3A_337] {strides = array<i32>} : memref<5120xi32, #tpu.memory_space<vmem>>, vector<16xi32>,
      %gather3A_339 = tpu.vector_load_idx %arg5[%get3A_338] : memref<100000xf32, #tpu.memory_space<vmem>>[vector<16xi32>], vector<16xf32>,
      %swap3A_340 = arith.index_cast %add3A_336 : i32 to index
      %swap3A_341 = tpu.vector_load %arg9[%swap3A_340] {strides = array<i32>} : memref<5120xf32, #tpu.memory_space<vmem>>, vector<16xf32>,
      tpu.vector_store %arg9[%swap3A_340], %gather3A_339 {strides = array<i32>} : memref<5120xf32, #tpu.memory_space<vmem>>, vector<16xf32>,
      %mul3A_342 = arith.constant 128 : i32
      %mul3A_343 = arith.muli %scan3A_325, %mul3A_342 : i32
      %add3A_344 = arith.constant 32 : i32
      %add3A_345 = arith.addi %mul3A_343, %add3A_344 : i32
      %get3A_346 = arith.index_cast %add3A_345 : i32 to index
      %get3A_347 = tpu.vector_load %arg7[%get3A_346] {strides = array<i32>} : memref<5120xi32, #tpu.memory_space<vmem>>, vector<16xi32>,
      %gather3A_348 = tpu.vector_load_idx %arg5[%get3A_347] : memref<100000xf32, #tpu.memory_space<vmem>>[vector<16xi32>], vector<16xf32>,
      %swap3A_349 = arith.index_cast %add3A_345 : i32 to index
      %swap3A_350 = tpu.vector_load %arg9[%swap3A_349] {strides = array<i32>} : memref<5120xf32, #tpu.memory_space<vmem>>, vector<16xf32>,
      tpu.vector_store %arg9[%swap3A_349], %gather3A_348 {strides = array<i32>} : memref<5120xf32, #tpu.memory_space<vmem>>, vector<16xf32>,
      %mul3A_351 = arith.constant 128 : i32
      %mul3A_352 = arith.muli %scan3A_325, %mul3A_351 : i32
      %add3A_353 = arith.constant 48 : i32
      %add3A_354 = arith.addi %mul3A_352, %add3A_353 : i32
      %get3A_355 = arith.index_cast %add3A_354 : i32 to index
      %get3A_356 = tpu.vector_load %arg7[%get3A_355] {strides = array<i32>} : memref<5120xi32, #tpu.memory_space<vmem>>, vector<16xi32>,
      %gather3A_357 = tpu.vector_load_idx %arg5[%get3A_356] : memref<100000xf32, #tpu.memory_space<vmem>>[vector<16xi32>], vector<16xf32>,
      %swap3A_358 = arith.index_cast %add3A_354 : i32 to index
      %swap3A_359 = tpu.vector_load %arg9[%swap3A_358] {strides = array<i32>} : memref<5120xf32, #tpu.memory_space<vmem>>, vector<16xf32>,
      tpu.vector_store %arg9[%swap3A_358], %gather3A_357 {strides = array<i32>} : memref<5120xf32, #tpu.memory_space<vmem>>, vector<16xf32>,
      %mul3A_360 = arith.constant 128 : i32
      %mul3A_361 = arith.muli %scan3A_325, %mul3A_360 : i32
      %add3A_362 = arith.constant 64 : i32
      %add3A_363 = arith.addi %mul3A_361, %add3A_362 : i32
      %get3A_364 = arith.index_cast %add3A_363 : i32 to index
      %get3A_365 = tpu.vector_load %arg7[%get3A_364] {strides = array<i32>} : memref<5120xi32, #tpu.memory_space<vmem>>, vector<16xi32>,
      %gather3A_366 = tpu.vector_load_idx %arg5[%get3A_365] : memref<100000xf32, #tpu.memory_space<vmem>>[vector<16xi32>], vector<16xf32>,
      %swap3A_367 = arith.index_cast %add3A_363 : i32 to index
      %swap3A_368 = tpu.vector_load %arg9[%swap3A_367] {strides = array<i32>} : memref<5120xf32, #tpu.memory_space<vmem>>, vector<16xf32>,
      tpu.vector_store %arg9[%swap3A_367], %gather3A_366 {strides = array<i32>} : memref<5120xf32, #tpu.memory_space<vmem>>, vector<16xf32>,
      %mul3A_369 = arith.constant 128 : i32
      %mul3A_370 = arith.muli %scan3A_325, %mul3A_369 : i32
      %add3A_371 = arith.constant 80 : i32
      %add3A_372 = arith.addi %mul3A_370, %add3A_371 : i32
      %get3A_373 = arith.index_cast %add3A_372 : i32 to index
      %get3A_374 = tpu.vector_load %arg7[%get3A_373] {strides = array<i32>} : memref<5120xi32, #tpu.memory_space<vmem>>, vector<16xi32>,
      %gather3A_375 = tpu.vector_load_idx %arg5[%get3A_374] : memref<100000xf32, #tpu.memory_space<vmem>>[vector<16xi32>], vector<16xf32>,
      %swap3A_376 = arith.index_cast %add3A_372 : i32 to index
      %swap3A_377 = tpu.vector_load %arg9[%swap3A_376] {strides = array<i32>} : memref<5120xf32, #tpu.memory_space<vmem>>, vector<16xf32>,
      tpu.vector_store %arg9[%swap3A_376], %gather3A_375 {strides = array<i32>} : memref<5120xf32, #tpu.memory_space<vmem>>, vector<16xf32>,
      %mul3A_378 = arith.constant 128 : i32
      %mul3A_379 = arith.muli %scan3A_325, %mul3A_378 : i32
      %add3A_380 = arith.constant 96 : i32
      %add3A_381 = arith.addi %mul3A_379, %add3A_380 : i32
      %get3A_382 = arith.index_cast %add3A_381 : i32 to index
      %get3A_383 = tpu.vector_load %arg7[%get3A_382] {strides = array<i32>} : memref<5120xi32, #tpu.memory_space<vmem>>, vector<16xi32>,
      %gather3A_384 = tpu.vector_load_idx %arg5[%get3A_383] : memref<100000xf32, #tpu.memory_space<vmem>>[vector<16xi32>], vector<16xf32>,
      %swap3A_385 = arith.index_cast %add3A_381 : i32 to index
      %swap3A_386 = tpu.vector_load %arg9[%swap3A_385] {strides = array<i32>} : memref<5120xf32, #tpu.memory_space<vmem>>, vector<16xf32>,
      tpu.vector_store %arg9[%swap3A_385], %gather3A_384 {strides = array<i32>} : memref<5120xf32, #tpu.memory_space<vmem>>, vector<16xf32>,
      %mul3A_387 = arith.constant 128 : i32
      %mul3A_388 = arith.muli %scan3A_325, %mul3A_387 : i32
      %add3A_389 = arith.constant 112 : i32
      %add3A_390 = arith.addi %mul3A_388, %add3A_389 : i32
      %get3A_391 = arith.index_cast %add3A_390 : i32 to index
      %get3A_392 = tpu.vector_load %arg7[%get3A_391] {strides = array<i32>} : memref<5120xi32, #tpu.memory_space<vmem>>, vector<16xi32>,
      %gather3A_393 = tpu.vector_load_idx %arg5[%get3A_392] : memref<100000xf32, #tpu.memory_space<vmem>>[vector<16xi32>], vector<16xf32>,
      %swap3A_394 = arith.index_cast %add3A_390 : i32 to index
      %swap3A_395 = tpu.vector_load %arg9[%swap3A_394] {strides = array<i32>} : memref<5120xf32, #tpu.memory_space<vmem>>, vector<16xf32>,
      tpu.vector_store %arg9[%swap3A_394], %gather3A_393 {strides = array<i32>} : memref<5120xf32, #tpu.memory_space<vmem>>, vector<16xf32>,
      %scan3A_396 = arith.constant 0 : i32
      scf.yield %scan3A_396 : i32
    }
    %scan3A_308 = arith.constant 40 : i32
    %mul3A_309 = arith.constant 51200 : i32
    %mul3A_310 = arith.muli %arg1, %mul3A_309 : i32
    %add3A_311 = arith.constant 46080 : i32
    %add3A_312 = arith.addi %mul3A_310, %add3A_311 : i32
    %dma_start3A_313 = tpu.memref_slice %arg4[%arg0, %add3A_312] : memref<2x819200xf32, #tpu.memory_space<hbm>> -> memref<1x5120xf32, #tpu.memory_space<hbm>>
    %dma_start3A_314 = tpu.memref_squeeze %dma_start3A_313 : memref<1x5120xf32, #tpu.memory_space<hbm>> -> memref<5120xf32, #tpu.memory_space<hbm>>
    %dma_start3A_315 = tpu.memref_slice %arg4[%arg0, %add3A_312] : memref<2x819200xf32, #tpu.memory_space<hbm>> -> memref<1x5120xf32, #tpu.memory_space<hbm>>
    %dma_start3A_316 = tpu.memref_squeeze %dma_start3A_315 : memref<1x5120xf32, #tpu.memory_space<hbm>> -> memref<5120xf32, #tpu.memory_space<hbm>>
    tpu.enqueue_dma source(%arg9 : memref<5120xf32, #tpu.memory_space<vmem>>) target(%dma_start3A_316 : memref<5120xf32, #tpu.memory_space<hbm>>) target_semaphore(%arg11 : memref<!tpu.dma_semaphore, #tpu.memory_space<semaphore_mem>>)
    %dma_wait3A_317 = tpu.memref_slice %arg4[%arg0, %add3A_286] : memref<2x819200xf32, #tpu.memory_space<hbm>> -> memref<1x5120xf32, #tpu.memory_space<hbm>>
    %dma_wait3A_318 = tpu.memref_squeeze %dma_wait3A_317 : memref<1x5120xf32, #tpu.memory_space<hbm>> -> memref<5120xf32, #tpu.memory_space<hbm>>
    %dma_wait3A_319 = tpu.memref_slice %arg4[%arg0, %add3A_286] : memref<2x819200xf32, #tpu.memory_space<hbm>> -> memref<1x5120xf32, #tpu.memory_space<hbm>>
    %dma_wait3A_320 = tpu.memref_squeeze %dma_wait3A_319 : memref<1x5120xf32, #tpu.memory_space<hbm>> -> memref<5120xf32, #tpu.memory_space<hbm>>
    tpu.wait_dma2 semaphore(%arg11 : memref<!tpu.dma_semaphore, #tpu.memory_space<semaphore_mem>>) src(%arg8 : memref<5120xf32, #tpu.memory_space<vmem>>) dst(%dma_wait3A_320 : memref<5120xf32, #tpu.memory_space<hbm>>)
    %dma_wait3A_321 = tpu.memref_slice %arg4[%arg0, %add3A_312] : memref<2x819200xf32, #tpu.memory_space<hbm>> -> memref<1x5120xf32, #tpu.memory_space<hbm>>
    %dma_wait3A_322 = tpu.memref_squeeze %dma_wait3A_321 : memref<1x5120xf32, #tpu.memory_space<hbm>> -> memref<5120xf32, #tpu.memory_space<hbm>>
    %dma_wait3A_323 = tpu.memref_slice %arg4[%arg0, %add3A_312] : memref<2x819200xf32, #tpu.memory_space<hbm>> -> memref<1x5120xf32, #tpu.memory_space<hbm>>
    %dma_wait3A_324 = tpu.memref_squeeze %dma_wait3A_323 : memref<1x5120xf32, #tpu.memory_space<hbm>> -> memref<5120xf32, #tpu.memory_space<hbm>>
    tpu.wait_dma2 semaphore(%arg11 : memref<!tpu.dma_semaphore, #tpu.memory_space<semaphore_mem>>) src(%arg9 : memref<5120xf32, #tpu.memory_space<vmem>>) dst(%dma_wait3A_324 : memref<5120xf32, #tpu.memory_space<hbm>>)
    return
  }
}

</mosaic_0001>

<sc_bundles>
// kernel: kernel.3.cloned.1.call-start
scs
__scs_entry_jumppad:
0x0: {  	(pc) =	sbr.rel $0x88, $3  }
0x1: {  	(tag) =	ssettag $0x0;
	lr =	simm.s32 $0x1  }
0x2: {  	[smem:$0x3F9F] =	sst lr;
	_ =	strace $0xD0000000  }
0x3: {  	_ = 	snop  }
0x4: {  	_ = 	snop  }
0x5: {  	_ = 	snop  }
0x6: {  	_ = 	snop  }
0x7: {  	_ = 	snop  }
__scs_overlays_trampoline_lowered:
0x8: {  	[smem:$0x3FAE] =	sst s0  }
0x9: {  	[smem:$0x3FAF] =	sst s1  }
0xa: {  	[smem:$0x3FB0] =	sst s2  }
0xb: {  	[smem:$0x3FB1] =	sst s3  }
0xc: {  	[smem:$0x3FB2] =	sst s4  }
0xd: {  	[smem:$0x3FB3] =	sst s5  }
0xe: {  	[smem:$0x3FB4] =	sst s6  }
0xf: {  	[smem:$0x3FB5] =	sst s7  }
0x10: {  	[smem:$0x3FB6] =	sst s8  }
0x11: {  	[smem:$0x3FB7] =	sst s9;
	s0 =	simm.s32 @!p0 $0x0  }
0x12: {  	s1 =	sld [smem:$0x3F9D];
	s0 =	simm.s32 @p0 $0x1  }
0x13: {  	[smem:$0x3FB8] =	sst s0;
	s0 =	simm.s32 @!p1 $0x0  }
0x14: {  	s2 =	sld [smem:$0x3F9C];
	s0 =	simm.s32 @p1 $0x1  }
0x15: {  	[smem:$0x3FB9] =	sst s0;
	s0 =	simm.s32 @!p2 $0x0  }
0x16: {  	s3 =	sld [smem:$0x3FDB];
	s0 =	simm.s32 @p2 $0x1  }
0x17: {  	s4 =	simm.s32 $0x1BF5;
	[smem:$0x3FBB] =	sst s0  }
0x18: {  	s0 =	sld [smem:$0x3F9E];
	_ =	swait.ge [sflag:s4], $0x0  }
0x19: {  	s7 =	sld [smem:$0x3F9F]  }
0x1a: {  	s8 =	sadd.s32 $0xFFFFE003, lr  }
0x1b: {  	s9 =	sadd.s32 $0xFFFFFEF7, lr;
	s5 =	simm.s32 $0xFFFFFFFF;
	p2 =	slt.u32 s8, $0xFFFFF086  }
0x1c: {  	p1 =	slt.u32 s9, $0xF7A;
	s5 =	simm.s32 @!p2 $0x0  }
0x1d: {  	s5 =	simm.s32 @p1 $0x1;
	p0 =	seq.s32 s7, s2  }
0x1e: {  	s7 =	smul.u32 @!p0 $0xF7A, s2;
	p2 =	seq.s32 @!p0 s5, $0x0  }
0x1f: {  	s9 =	smul.u32 $0xF7A, s1;
	s8 =	simm.s32 @!p0 $0x1BF5;
	p2 =	por !p2, p0  }
0x20: {  	[sflag:s8] =	ssyncset.s32 @!p0 $0xFFFFF086;
	s6 =	sadd.s32 @!p0 s3, s7;
	s7 =	simm.s32 @!p0 $0x108  }
0x21: {  	s3 =	sadd.s32 s3, s9;
	s6 =	sadd.s32 @!p0 $0x88, s6;
	s7 =	simm.s32 @p2 $0x1082  }
0x22: {  	[simem:s7], [sflag:s8] =	dma.local @!p0 [hbm:s6], $0xF7A  }
0x23: {  	s9 =	sor.u32 $0xD0000000, s2;
	s6 =	simm.s32 $0x108;
	_ =	swait.ge @!p0 [sflag:s8], $0x0  }
0x24: {  	s3 =	sadd.s32 $0x88, s3;
	s6 =	simm.s32 @!p1 $0x1082;
	[sflag:s4] =	ssyncset.s32 $0xFFFFF086  }
0x25: {  	[simem:s6], [sflag:s4] =	dma.local [hbm:s3], $0xF7A  }
0x26: {  	[smem:$0x3F9F] =	sst s1;
	(tag) =	ssettag s2;
	_ =	strace s9  }
0x27: {  	s1 =	sld [smem:$0x3FAF]  }
0x28: {  	s2 =	sld [smem:$0x3FB0]  }
0x29: {  	s4 =	sld [smem:$0x3FB2]  }
0x2a: {  	p0 =	seq.s32 s5, $0x0;
	s5 =	sld [smem:$0x3FB3]  }
0x2b: {  	s6 =	sld [smem:$0x3FB4]  }
0x2c: {  	s7 =	sld [smem:$0x3FB5]  }
0x2d: {  	s3 =	simm.s32 $0x108;
	s8 =	sld [smem:$0x3FB6]  }
0x2e: {  	s3 =	simm.s32 @!p0 $0x1082;
	s9 =	sld [smem:$0x3FB7]  }
0x2f: {  	lr =	sadd.s32 s0, s3;
	s0 =	sld [smem:$0x3FAE]  }
0x30: {  	s3 =	sld [smem:$0x3FB1]  }
0x31: {  	[smem:$0x3FBA] =	sst s10  }
0x32: {  	s10 =	sld [smem:$0x3FB8];
	_ =	sdelay $0x3  }
0x33: {  	p0 =	seq.s32 s10, $0x1;
	s10 =	sld [smem:$0x3FBA];
	_ =	sdelay $0x3  }
0x34: {  	[smem:$0x3FBA] =	sst s10  }
0x35: {  	s10 =	sld [smem:$0x3FB9];
	_ =	sdelay $0x3  }
0x36: {  	p1 =	seq.s32 s10, $0x1;
	s10 =	sld [smem:$0x3FBA];
	_ =	sdelay $0x3  }
0x37: {  	[smem:$0x3FBA] =	sst s10  }
0x38: {  	s10 =	sld [smem:$0x3FBB]  }
0x39: {  	_ = 	snop;
	(pc) =	sbr.ind lr, $3  }
0x3a: {  	_ = 	snop  }
0x3b: {  	_ = 	snop  }
0x3c: {  	p2 =	seq.s32 s10, $0x1;
	s10 =	sld [smem:$0x3FBA]  }
0x3d: {  	_ =	shalt  }
0x3e: {  	_ =	shalt  }
0x3f: {  	_ =	shalt  }
0x40: {  	_ =	shalt  }
0x41: {  	_ =	shalt  }
0x42: {  	_ =	shalt  }
0x43: {  	_ =	shalt  }
0x44: {  	_ =	shalt  }
0x45: {  	_ =	shalt  }
0x46: {  	_ =	shalt  }
0x47: {  	_ =	shalt  }
0x48: {  	_ =	shalt  }
0x49: {  	_ =	shalt  }
0x4a: {  	_ =	shalt  }
0x4b: {  	_ =	shalt  }
0x4c: {  	_ =	shalt  }
0x4d: {  	_ =	shalt  }
0x4e: {  	_ =	shalt  }
0x4f: {  	_ =	shalt  }
0x50: {  	_ =	shalt  }
0x51: {  	_ =	shalt  }
0x52: {  	_ =	shalt  }
0x53: {  	_ =	shalt  }
0x54: {  	_ =	shalt  }
0x55: {  	_ =	shalt  }
0x56: {  	_ =	shalt  }
0x57: {  	_ =	shalt  }
0x58: {  	_ =	shalt  }
0x59: {  	_ =	shalt  }
0x5a: {  	_ =	shalt  }
0x5b: {  	_ =	shalt  }
0x5c: {  	_ =	shalt  }
0x5d: {  	_ =	shalt  }
0x5e: {  	_ =	shalt  }
0x5f: {  	_ =	shalt  }
0x60: {  	_ =	shalt  }
0x61: {  	_ =	shalt  }
0x62: {  	_ =	shalt  }
0x63: {  	_ =	shalt  }
0x64: {  	_ =	shalt  }
0x65: {  	_ =	shalt  }
0x66: {  	_ =	shalt  }
0x67: {  	_ =	shalt  }
0x68: {  	_ =	shalt  }
0x69: {  	_ =	shalt  }
0x6a: {  	_ =	shalt  }
0x6b: {  	_ =	shalt  }
0x6c: {  	_ =	shalt  }
0x6d: {  	_ =	shalt  }
0x6e: {  	_ =	shalt  }
0x6f: {  	_ =	shalt  }
0x70: {  	_ =	shalt  }
0x71: {  	_ =	shalt  }
0x72: {  	_ =	shalt  }
0x73: {  	_ =	shalt  }
0x74: {  	_ =	shalt  }
0x75: {  	_ =	shalt  }
0x76: {  	_ =	shalt  }
0x77: {  	_ =	shalt  }
0x78: {  	_ =	shalt  }
0x79: {  	_ =	shalt  }
0x7a: {  	_ =	shalt  }
0x7b: {  	_ =	shalt  }
0x7c: {  	_ =	shalt  }
0x7d: {  	_ =	shalt  }
0x7e: {  	_ =	shalt  }
0x7f: {  	_ =	shalt  }
0x80: {  	_ =	shalt  }
0x81: {  	_ =	shalt  }
0x82: {  	_ =	shalt  }
0x83: {  	_ =	shalt  }
0x84: {  	_ =	shalt  }
0x85: {  	_ =	shalt  }
0x86: {  	_ =	shalt  }
0x87: {  	_ =	shalt  }
.Lfunc_end0:
.L_simem_size_0:
called_computation_lowered:
.L_overlay_start_0:
0x88: {  	s2 =	sld [smem:$0x3FD9]  }
0x89: {  	s3 =	sld [smem:$0x3FFE];
	_ =	sdelay $0x1  }
0x8a: {  	s1 =	srdreg.scid  }
0x8b: {  	s0 =	sand.u32 $0x1, s1  }
0x8c: {  	s17 =	sshll.u32 s0, $0xA;
	s2 =	sadd.s32 s3, s2  }
0x8d: {  	s2 =	sadd.s32 s2, s17  }
0x8e: {  	[smem:$0x3FC6] =	sst s2  }
0x8f: {  	_ = 	snop  }
0x90: {  	s2 =	sld [smem:$0x3FC8]  }
0x91: {  	s18 =	sld [smem:$0x3FD0];
	(tm) =	ssettm $0x1  }
0x92: {  	s4 =	sld [smem:$0x3FFB];
	_ =	sdelay $0x3  }
0x93: {  	_ =	strace s4  }
0x94: {  	s4 =	sld [smem:$0x3FFC];
	_ =	sdelay $0x3  }
0x95: {  	_ =	strace s4  }
0x96: {  	s4 =	sld [smem:$0x3FFD];
	_ =	sdelay $0x3  }
0x97: {  	_ =	strace s4  }
0x98: {  	_ =	strace $0x8FFFFFFF  }
0x99: {  	s19 =	sld [smem:$0x3FDB];
	_ =	sdelay $0x1  }
0x9a: {  	s5 =	simm.s32 $_scs_section_size  }
0x9b: {  	s6 =	simm.s32 $_size__tile_overlayer_lowered;
	s7 =	simm.s32 $_tile_overlayer_lowered  }
0x9c: {  	s22 =	simm.s32 $0x1BFF;
	s21 =	sshll.u32 s7, $0x1;
	s4 =	sadd.s32 s5, s19  }
0x9d: {  	s8 =	simm.s32 $0x0;
	s20 =	sshll.u32 s6, $0x1;
	s6 =	sadd.s32 s21, s4  }
0x9e: {  	[timem:s8], [sflag:s22] =	dma.local [hbm:s6], s20  }
0x9f: {  	_ =	swait.ge [sflag:s22], s20  }
0xa0: {  	s5 =	ssub.s32 $0x0, s20;
	[sflag:s22] =	ssyncset.done $0x0  }
0xa1: {  	[sflag:s22] =	ssyncadd.s32 s5;
	_ =	sdelay $0x1  }
0xa2: {  	s23 =	simm.s32 $0x1B8B  }
0xa3: {  	_ =	swait.ge [sflag:s23], $0x1  }
0xa4: {  	[sflag:s23] =	ssyncset.done $0x0  }
0xa5: {  	s25 =	simm.s32 $0x1B8E;
	s24 =	sld [smem:$0x3FFE];
	[sflag:s23] =	ssyncadd.s32 $0xFFFFFFFF  }
0xa6: {  	s26 =	simm.s32 $execute0_lowered;
	[smem:$0x3FD2] =	sst s25  }
0xa7: {  	s6 =	sshll.u32 s26, $0x1;
	_ =	strace $0x80000046;
	[dreg:$0x1] =	wrdreg $0xFFFFFFFF  }
0xa8: {  	s28 =	simm.s32 $_size_execute0_lowered;
	s4 =	sadd.s32 s4, s6;
	[dreg:$0x0] =	wrdreg $0x0  }
0xa9: {  	s6 =	sshll.u32 s28, $0x1;
	[dreg:$0x2] =	wrdreg s4  }
0xaa: {  	[dreg:$0x3] =	wrdreg s6  }
0xab: {  	[dreg:$0x4] =	wrdreg $0xC0  }
0xac: {  	_ =	task [dreg:s8], $0x5FFFF  }
0xad: {  	[dreg:$0x1] =	wrdreg $0xFFFFFFFF  }
0xae: {  	[dreg:$0x0] =	wrdreg $0x60  }
0xaf: {  	[dreg:$0x2] =	wrdreg s24  }
0xb0: {  	[dreg:$0x3] =	wrdreg s2  }
0xb1: {  	[dreg:$0x4] =	wrdreg s18  }
0xb2: {  	[dreg:$0x5] =	wrdreg $0x9  }
0xb3: {  	_ =	task.clear_ibuf [dreg:s8], $0x6FFFF;
	_ =	strace $0x90000046  }
0xb4: {  	s29 =	simm.s32 $0x9;
	_ =	strace $0x80000048  }
0xb5: {  	_ =	swait.ge [sflag:s29], $0x1  }
0xb6: {  	[sflag:s29] =	ssyncadd.s32 $0xFFFFFFFF  }
0xb7: {  	_ =	strace $0x90000048  }
0xb8: {  	_ =	sfence  }
0xb9: {  	s30 =	sld [smem:$0x0];
	_ =	sdelay $0x2  }
0xba: {  	s31 =	sshll.u32 s1, $0xD;
	s1 =	sshrl.u32 s1, $0x2  }
0xbb: {  	s3 =	sand.u32 $0x4000, s31;
	s1 =	sadd.s32 s1, s30  }
0xbc: {  	s0 =	sor.u32 s3, s0;
	s1 =	sshll.u32 s1, $0x11  }
0xbd: {  	s0 =	sor.u32 s1, s0  }
0xbe: {  	s0 =	sadd.s32 $0x8F2B, s0  }
0xbf: {  	[sflag:s0] =	ssyncadd.remote.s32 $0x1  }
0xc0: {  	_ =	sfence.sel $0xFFFF  }
0xc1: {  	[dreg:$0x0] =	wrdreg $0xFFFFFFFF;
	(pc) =	sbr.abs _section_cstart, $3  }
0xc2: {  	[dreg:$0x1] =	wrdreg $0xFFFFFFFF  }
0xc3: {  	_ =	task.clear_ibuf [dreg:s8], $0x2FFFF;
	_ =	strace $0x9FFFFFFF  }
0xc4: {  	(tm) =	ssettm $0x7FFFFFFF  }
0xc5: {  	_ =	shalt  }
tec
execute0_lowered:
.L_overlay_start_1:
0x0: {  	(tag) =	ssettag $0x1  }
0x1: {  	s0 =	rddreg [dreg:$0x0]  }
0x2: {  	s1 =	rddreg [dreg:$0x1]  }
0x3: {  	s3 =	rddreg [dreg:$0x2];
	s2 =	simm.s32 $0x0;
	s8 =	stileid.u32  }
0x4: {  	s4 =	srdreg.scid;
	s28 =	simm.s32 $0x18700;
	s29 =	simm.s32 $0x100  }
0x5: {  	s30 =	simm.s32 $0x3;
	s31 =	simm.s32 $0x19B00;
	s5 =	smul.u32 $0x14000, s8  }
0x6: {  	[smem:$0x7FF] =	sst s2;
	s4 =	sand.u32 $0x1, s4;
	s8 =	smul.u32 $0x19000, s8  }
0x7: {  	_ =	strace $0x80000047;
	s6 =	ssub.s32 $0x2, s4;
	s26 =	sshll.u32 s4, $0x7  }
0x8: {  	s4 =	sshll.u32 s4, $0x4;
	s5 =	sshrl.u32 s5, $0x3;
	s7 =	sshrl.u32 s6, $0x1  }
0x9: {  	s1 =	sadd.s32 s1, s4;
	s4 =	simm.s32 $0x2;
	s0 =	sadd.s32 s5, s0  }
0xa: {  	s5 =	ssub.s32 s6, s7;
	s6 =	sor.u32 s26, s8;
	[dreg:$0x5] =	wrdreg s1  }
0xb: {  	s9 =	sadd.s32 $0x400, s0;
	s10 =	sshrl.u32 s6, $0x3;
	s11 =	sadd.s32 $0x2800, s6  }
0xc: {  	s12 =	sadd.s32 $0x410, s0;
	s14 =	sadd.s32 $0x420, s0;
	s15 =	sadd.s32 $0x5000, s6  }
0xd: {  	s16 =	sadd.s32 $0x7800, s6;
	s18 =	sadd.s32 $0xA000, s6;
	s20 =	sadd.s32 $0xC800, s6  }
0xe: {  	s21 =	sadd.s32 $0xF000, s6;
	s23 =	sadd.s32 $0x11800, s6;
	[dreg:$0x4] =	wrdreg s9  }
0xf: {  	s24 =	sadd.s32 $0x14000, s6;
	s6 =	sadd.s32 $0x16800, s6;
	[dreg:$0x6] =	wrdreg s12  }
0x10: {  	s1 =	sadd.s32 s3, s10;
	s13 =	sshrl.u32 s11, $0x3;
	[dreg:$0x8] =	wrdreg s14  }
0x11: {  	s9 =	sadd.s32 $0x430, s0;
	s17 =	sshrl.u32 s16, $0x3;
	s11 =	sadd.s32 $0x440, s0  }
0x12: {  	s19 =	sshrl.u32 s18, $0x3;
	s22 =	sshrl.u32 s21, $0x3;
	s25 =	sshrl.u32 s24, $0x3  }
0x13: {  	s26 =	sshrl.u32 s6, $0x3;
	s21 =	sadd.s32 $0x1810, s0;
	s24 =	smax.u32 s5, $0x1  }
0x14: {  	s5 =	simm.s32 $0x0;
	[dreg:$0x7] =	wrdreg s1;
	s1 =	sadd.s32 s3, s13  }
0x15: {  	s12 =	sadd.s32 s3, s17;
	s13 =	sadd.s32 $0x450, s0;
	s14 =	sadd.s32 s3, s19  }
0x16: {  	s17 =	sadd.s32 $0x470, s0;
	s18 =	sadd.s32 s3, s22;
	s19 =	sadd.s32 $0x1800, s0  }
0x17: {  	s22 =	sadd.s32 s3, s25;
	[dreg:$0x9] =	wrdreg s1;
	s1 =	sshrl.u32 s15, $0x3  }
0x18: {  	s25 =	simm.s32 $0x80;
	s10 =	sadd.s32 s3, s1;
	s1 =	sshrl.u32 s20, $0x3  }
0x19: {  	s15 =	sadd.s32 $0x460, s0;
	s0 =	simm.s32 $0x1;
	s16 =	sadd.s32 s3, s1  }
0x1a: {  	s1 =	sshrl.u32 s23, $0x3;
	s23 =	sadd.s32 s3, s26;
	s26 =	simm.s32 $0x400  }
0x1b: {  	s20 =	sadd.s32 s3, s1;
	s1 =	simm.s32 $0x1AF00;
	s3 =	simm.s32 $0x1C300  }
.LBB2_1:
0x1c: {  	s6 =	rddreg [dreg:$0x4]  }
0x1d: {  	[tilespmem:s28], [sflag:$0x1] =	stream.strided.gather [hbm4b:s6+s25], $0x1400, s26, s25, $0x38;
	[tilespmem:$0x1D700] =	vst v63  }
0x1e: {  	s7 =	rddreg [dreg:$0x5]  }
0x1f: {  	[tilespmem:s2], [sflag:$0x3] =	stream.strided.gather [hbm4b:s7+s25], $0x18700, s29, s25, $0x38;
	[tilespmem:$0x1D700] =	vst v63  }
0x20: {  	_ =	swait.ge [sflag:s30], $0x18700  }
0x21: {  	[sflag:s30] =	ssyncset.done $0x0  }
0x22: {  	s8 =	rddreg [dreg:$0x6];
	[sflag:s30] =	ssyncadd.s32 $0xFFFE7900  }
0x23: {  	[tilespmem:s31], [sflag:$0x1] =	stream.strided.gather [hbm4b:s8+s25], $0x1400, s26, s25, $0x38;
	[tilespmem:$0x1D700] =	vst v63  }
0x24: {  	_ =	swait.ge [sflag:s0], $0x1400  }
0x25: {  	[sflag:s0] =	ssyncset.done $0x0  }
0x26: {  	s6 =	simm.s32 $0x0;
	[sflag:s0] =	ssyncadd.s32 $0xFFFFEC00  }
0x27: {  	v0 =	vld [tilespmem:s6+$0x18700];
	_ =	sdelay $0x5  }
0x28: {  	v1 =	vld [tilespmem:s6+$0x18710];
	_ =	sdelay $0x1  }
0x29: {  	v0 =	vld.idx.msk [tilespmem:v0+s2+$0x0], $0xffff;
	_ =	sdelay $0x4  }
0x2a: {  	[tilespmem:s6+$0x1AF00] =	vst v0;
	v0 =	vld [tilespmem:s6+$0x18720]  }
0x2b: {  	v1 =	vld.idx.msk [tilespmem:v1+s2+$0x0], $0xffff;
	_ =	sdelay $0x4  }
0x2c: {  	[tilespmem:s6+$0x1AF10] =	vst v1;
	v1 =	vld [tilespmem:s6+$0x18730];
	_ =	sdelay $0x1  }
0x2d: {  	v0 =	vld.idx.msk [tilespmem:v0+s2+$0x0], $0xffff;
	_ =	sdelay $0x4  }
0x2e: {  	[tilespmem:s6+$0x1AF20] =	vst v0;
	v0 =	vld [tilespmem:s6+$0x18740]  }
0x2f: {  	v1 =	vld.idx.msk [tilespmem:v1+s2+$0x0], $0xffff;
	_ =	sdelay $0x4  }
0x30: {  	[tilespmem:s6+$0x1AF30] =	vst v1;
	v1 =	vld [tilespmem:s6+$0x18750];
	_ =	sdelay $0x1  }
0x31: {  	v0 =	vld.idx.msk [tilespmem:v0+s2+$0x0], $0xffff;
	_ =	sdelay $0x4  }
0x32: {  	v2 =	vld [tilespmem:s6+$0x18760];
	[tilespmem:s6+$0x1AF40] =	vst v0  }
0x33: {  	v0 =	vld.idx.msk [tilespmem:v1+s2+$0x0], $0xffff;
	_ =	sdelay $0x4  }
0x34: {  	[tilespmem:s6+$0x1AF50] =	vst v0;
	v0 =	vld [tilespmem:s6+$0x18770];
	_ =	sdelay $0x1  }
0x35: {  	v1 =	vld.idx.msk [tilespmem:v2+s2+$0x0], $0xffff;
	_ =	sdelay $0x3  }
0x36: {  	s7 =	simm.s32 $0x400;
	s8 =	simm.s32 $0x80  }
.LBB2_2:
0x37: {  	p0 =	sne.s32 s7, $0x4E00;
	v2 =	vld [tilespmem:s8+$0x18700];
	[tilespmem:s6+$0x1AF60] =	vst v1  }
0x38: {  	v0 =	vld.idx.msk [tilespmem:v0+s2+$0x0], $0xffff;
	_ =	sdelay $0x5  }
0x39: {  	v1 =	vld [tilespmem:s8+$0x18710];
	[tilespmem:s6+$0x1AF70] =	vst v0;
	s6 =	smov.u32 s8  }
0x3a: {  	v0 =	vld.idx.msk [tilespmem:v2+s2+$0x0], $0xffff;
	_ =	sdelay $0x5  }
0x3b: {  	[tilespmem:s6+$0x1AF00] =	vst v0;
	v0 =	vld [tilespmem:s6+$0x18720]  }
0x3c: {  	v1 =	vld.idx.msk [tilespmem:v1+s2+$0x0], $0xffff;
	_ =	sdelay $0x5  }
0x3d: {  	[tilespmem:s6+$0x1AF10] =	vst v1;
	v1 =	vld [tilespmem:s6+$0x18730]  }
0x3e: {  	v0 =	vld.idx.msk [tilespmem:v0+s2+$0x0], $0xffff;
	_ =	sdelay $0x5  }
0x3f: {  	[tilespmem:s6+$0x1AF20] =	vst v0;
	v0 =	vld [tilespmem:s6+$0x18740]  }
0x40: {  	v1 =	vld.idx.msk [tilespmem:v1+s2+$0x0], $0xffff;
	_ =	sdelay $0x5  }
0x41: {  	[tilespmem:s6+$0x1AF30] =	vst v1;
	v1 =	vld [tilespmem:s6+$0x18750]  }
0x42: {  	v0 =	vld.idx.msk [tilespmem:v0+s2+$0x0], $0xffff;
	_ =	sdelay $0x5  }
0x43: {  	[tilespmem:s6+$0x1AF40] =	vst v0;
	v2 =	vld [tilespmem:s6+$0x18760]  }
0x44: {  	v0 =	vld.idx.msk [tilespmem:v1+s2+$0x0], $0xffff;
	_ =	sdelay $0x5  }
0x45: {  	[tilespmem:s6+$0x1AF50] =	vst v0;
	v0 =	vld [tilespmem:s6+$0x18770]  }
0x46: {  	v1 =	vld.idx.msk [tilespmem:v2+s2+$0x0], $0xffff  }
.Ltmp0:
0x47: {  	(pc) =	sbr.rel @p0 .LBB2_2-.Ltmp0, $2  }
0x48: {  	_ =	sdelay $0x2  }
0x49: {  	s8 =	sshra.s32 s7, $0x2;
	s7 =	sadd.s32 $0x200, s7  }
0x4a: {  	_ =	sdelay $0x1  }
0x4b: {  	v2 =	vld [tilespmem:s8+$0x18700]  }
0x4c: {  	[tilespmem:s6+$0x1AF60] =	vst v1  }
0x4d: {  	v0 =	vld.idx.msk [tilespmem:v0+s2+$0x0], $0xffff;
	_ =	sdelay $0x3  }
0x4e: {  	v1 =	vld [tilespmem:s8+$0x18710]  }
0x4f: {  	[tilespmem:s6+$0x1AF70] =	vst v0  }
0x50: {  	v0 =	vld.idx.msk [tilespmem:v2+s2+$0x0], $0xffff;
	_ =	sdelay $0x4  }
0x51: {  	[tilespmem:s8+$0x1AF00] =	vst v0;
	v0 =	vld [tilespmem:s8+$0x18720]  }
0x52: {  	v1 =	vld.idx.msk [tilespmem:v1+s2+$0x0], $0xffff;
	_ =	sdelay $0x4  }
0x53: {  	[tilespmem:s8+$0x1AF10] =	vst v1;
	v1 =	vld [tilespmem:s8+$0x18730];
	_ =	sdelay $0x1  }
0x54: {  	v0 =	vld.idx.msk [tilespmem:v0+s2+$0x0], $0xffff;
	_ =	sdelay $0x4  }
0x55: {  	[tilespmem:s8+$0x1AF20] =	vst v0;
	v0 =	vld [tilespmem:s8+$0x18740]  }
0x56: {  	v1 =	vld.idx.msk [tilespmem:v1+s2+$0x0], $0xffff;
	_ =	sdelay $0x4  }
0x57: {  	[tilespmem:s8+$0x1AF30] =	vst v1;
	v1 =	vld [tilespmem:s8+$0x18750];
	_ =	sdelay $0x1  }
0x58: {  	v0 =	vld.idx.msk [tilespmem:v0+s2+$0x0], $0xffff;
	_ =	sdelay $0x4  }
0x59: {  	[tilespmem:s8+$0x1AF40] =	vst v0;
	v0 =	vld [tilespmem:s8+$0x18760]  }
0x5a: {  	v1 =	vld.idx.msk [tilespmem:v1+s2+$0x0], $0xffff;
	_ =	sdelay $0x4  }
0x5b: {  	[tilespmem:s8+$0x1AF50] =	vst v1;
	v1 =	vld [tilespmem:s8+$0x18770];
	_ =	sdelay $0x1  }
0x5c: {  	v0 =	vld.idx.msk [tilespmem:v0+s2+$0x0], $0xffff;
	_ =	sdelay $0x4  }
0x5d: {  	[tilespmem:s8+$0x1AF60] =	vst v0  }
0x5e: {  	v0 =	vld.idx.msk [tilespmem:v1+s2+$0x0], $0xffff;
	_ =	sdelay $0x4  }
0x5f: {  	s7 =	rddreg [dreg:$0x7];
	[tilespmem:s8+$0x1AF70] =	vst v0  }
0x60: {  	[hbm4b:s7+s25] =	stream.strided.scatter [tilespmem:s1], [sflag:$0x2], $0x1400, s29, s25, $0x38;
	[tilespmem:$0x1D700] =	vst v63  }
0x61: {  	s8 =	rddreg [dreg:$0x8]  }
0x62: {  	[tilespmem:s28], [sflag:$0x1] =	stream.strided.gather [hbm4b:s8+s25], $0x1400, s26, s25, $0x38;
	[tilespmem:$0x1D700] =	vst v63  }
0x63: {  	_ =	swait.ge [sflag:s0], $0x1400  }
0x64: {  	[sflag:s0] =	ssyncset.done $0x0  }
0x65: {  	s6 =	simm.s32 $0x0;
	[sflag:s0] =	ssyncadd.s32 $0xFFFFEC00  }
0x66: {  	v0 =	vld [tilespmem:s6+$0x19B00];
	_ =	sdelay $0x5  }
0x67: {  	v1 =	vld [tilespmem:s6+$0x19B10];
	_ =	sdelay $0x1  }
0x68: {  	v0 =	vld.idx.msk [tilespmem:v0+s2+$0x0], $0xffff;
	_ =	sdelay $0x4  }
0x69: {  	[tilespmem:s6+$0x1C300] =	vst v0;
	v0 =	vld [tilespmem:s6+$0x19B20]  }
0x6a: {  	v1 =	vld.idx.msk [tilespmem:v1+s2+$0x0], $0xffff;
	_ =	sdelay $0x4  }
0x6b: {  	[tilespmem:s6+$0x1C310] =	vst v1;
	v1 =	vld [tilespmem:s6+$0x19B30];
	_ =	sdelay $0x1  }
0x6c: {  	v0 =	vld.idx.msk [tilespmem:v0+s2+$0x0], $0xffff;
	_ =	sdelay $0x4  }
0x6d: {  	[tilespmem:s6+$0x1C320] =	vst v0;
	v0 =	vld [tilespmem:s6+$0x19B40]  }
0x6e: {  	v1 =	vld.idx.msk [tilespmem:v1+s2+$0x0], $0xffff;
	_ =	sdelay $0x4  }
0x6f: {  	[tilespmem:s6+$0x1C330] =	vst v1;
	v1 =	vld [tilespmem:s6+$0x19B50];
	_ =	sdelay $0x1  }
0x70: {  	v0 =	vld.idx.msk [tilespmem:v0+s2+$0x0], $0xffff;
	_ =	sdelay $0x4  }
0x71: {  	v2 =	vld [tilespmem:s6+$0x19B60];
	[tilespmem:s6+$0x1C340] =	vst v0  }
0x72: {  	v0 =	vld.idx.msk [tilespmem:v1+s2+$0x0], $0xffff;
	_ =	sdelay $0x4  }
0x73: {  	[tilespmem:s6+$0x1C350] =	vst v0;
	v0 =	vld [tilespmem:s6+$0x19B70];
	_ =	sdelay $0x1  }
0x74: {  	v1 =	vld.idx.msk [tilespmem:v2+s2+$0x0], $0xffff;
	_ =	sdelay $0x3  }
0x75: {  	s7 =	simm.s32 $0x400;
	s8 =	simm.s32 $0x80  }
.LBB2_4:
0x76: {  	p0 =	sne.s32 s7, $0x4E00;
	v2 =	vld [tilespmem:s8+$0x19B00];
	[tilespmem:s6+$0x1C360] =	vst v1  }
0x77: {  	v0 =	vld.idx.msk [tilespmem:v0+s2+$0x0], $0xffff;
	_ =	sdelay $0x5  }
0x78: {  	v1 =	vld [tilespmem:s8+$0x19B10];
	[tilespmem:s6+$0x1C370] =	vst v0;
	s6 =	smov.u32 s8  }
0x79: {  	v0 =	vld.idx.msk [tilespmem:v2+s2+$0x0], $0xffff;
	_ =	sdelay $0x5  }
0x7a: {  	[tilespmem:s6+$0x1C300] =	vst v0;
	v0 =	vld [tilespmem:s6+$0x19B20]  }
0x7b: {  	v1 =	vld.idx.msk [tilespmem:v1+s2+$0x0], $0xffff;
	_ =	sdelay $0x5  }
0x7c: {  	[tilespmem:s6+$0x1C310] =	vst v1;
	v1 =	vld [tilespmem:s6+$0x19B30]  }
0x7d: {  	v0 =	vld.idx.msk [tilespmem:v0+s2+$0x0], $0xffff;
	_ =	sdelay $0x5  }
0x7e: {  	[tilespmem:s6+$0x1C320] =	vst v0;
	v0 =	vld [tilespmem:s6+$0x19B40]  }
0x7f: {  	v1 =	vld.idx.msk [tilespmem:v1+s2+$0x0], $0xffff;
	_ =	sdelay $0x5  }
0x80: {  	[tilespmem:s6+$0x1C330] =	vst v1;
	v1 =	vld [tilespmem:s6+$0x19B50]  }
0x81: {  	v0 =	vld.idx.msk [tilespmem:v0+s2+$0x0], $0xffff;
	_ =	sdelay $0x5  }
0x82: {  	[tilespmem:s6+$0x1C340] =	vst v0;
	v2 =	vld [tilespmem:s6+$0x19B60]  }
0x83: {  	v0 =	vld.idx.msk [tilespmem:v1+s2+$0x0], $0xffff;
	_ =	sdelay $0x5  }
0x84: {  	[tilespmem:s6+$0x1C350] =	vst v0;
	v0 =	vld [tilespmem:s6+$0x19B70]  }
0x85: {  	v1 =	vld.idx.msk [tilespmem:v2+s2+$0x0], $0xffff  }
.Ltmp1:
0x86: {  	(pc) =	sbr.rel @p0 .LBB2_4-.Ltmp1, $2  }
0x87: {  	_ =	sdelay $0x2  }
0x88: {  	s8 =	sshra.s32 s7, $0x2;
	s7 =	sadd.s32 $0x200, s7  }
0x89: {  	_ =	sdelay $0x1  }
0x8a: {  	v2 =	vld [tilespmem:s8+$0x19B00]  }
0x8b: {  	[tilespmem:s6+$0x1C360] =	vst v1  }
0x8c: {  	v0 =	vld.idx.msk [tilespmem:v0+s2+$0x0], $0xffff;
	_ =	sdelay $0x3  }
0x8d: {  	v1 =	vld [tilespmem:s8+$0x19B10]  }
0x8e: {  	[tilespmem:s6+$0x1C370] =	vst v0  }
0x8f: {  	v0 =	vld.idx.msk [tilespmem:v2+s2+$0x0], $0xffff;
	_ =	sdelay $0x4  }
0x90: {  	[tilespmem:s8+$0x1C300] =	vst v0;
	v0 =	vld [tilespmem:s8+$0x19B20]  }
0x91: {  	v1 =	vld.idx.msk [tilespmem:v1+s2+$0x0], $0xffff;
	_ =	sdelay $0x4  }
0x92: {  	[tilespmem:s8+$0x1C310] =	vst v1;
	v1 =	vld [tilespmem:s8+$0x19B30];
	_ =	sdelay $0x1  }
0x93: {  	v0 =	vld.idx.msk [tilespmem:v0+s2+$0x0], $0xffff;
	_ =	sdelay $0x4  }
0x94: {  	[tilespmem:s8+$0x1C320] =	vst v0;
	v0 =	vld [tilespmem:s8+$0x19B40]  }
0x95: {  	v1 =	vld.idx.msk [tilespmem:v1+s2+$0x0], $0xffff;
	_ =	sdelay $0x4  }
0x96: {  	[tilespmem:s8+$0x1C330] =	vst v1;
	v1 =	vld [tilespmem:s8+$0x19B50];
	_ =	sdelay $0x1  }
0x97: {  	v0 =	vld.idx.msk [tilespmem:v0+s2+$0x0], $0xffff;
	_ =	sdelay $0x4  }
0x98: {  	[tilespmem:s8+$0x1C340] =	vst v0;
	v0 =	vld [tilespmem:s8+$0x19B60]  }
0x99: {  	v1 =	vld.idx.msk [tilespmem:v1+s2+$0x0], $0xffff;
	_ =	sdelay $0x4  }
0x9a: {  	[tilespmem:s8+$0x1C350] =	vst v1;
	v1 =	vld [tilespmem:s8+$0x19B70];
	_ =	sdelay $0x1  }
0x9b: {  	v0 =	vld.idx.msk [tilespmem:v0+s2+$0x0], $0xffff;
	_ =	sdelay $0x4  }
0x9c: {  	[tilespmem:s8+$0x1C360] =	vst v0  }
0x9d: {  	v0 =	vld.idx.msk [tilespmem:v1+s2+$0x0], $0xffff;
	_ =	sdelay $0x4  }
0x9e: {  	[tilespmem:s8+$0x1C370] =	vst v0;
	s8 =	rddreg [dreg:$0x9]  }
0x9f: {  	[hbm4b:s8+s25] =	stream.strided.scatter [tilespmem:s3], [sflag:$0x2], $0x1400, s29, s25, $0x38;
	[tilespmem:$0x1D700] =	vst v63  }
0xa0: {  	_ = 	snop  }
0xa1: {  	[tilespmem:s31], [sflag:$0x1] =	stream.strided.gather [hbm4b:s9+s25], $0x1400, s26, s25, $0x38;
	[tilespmem:$0x1D700] =	vst v63  }
0xa2: {  	_ =	swait.ge [sflag:s0], $0x1400  }
0xa3: {  	[sflag:s0] =	ssyncset.done $0x0  }
0xa4: {  	[sflag:s0] =	ssyncadd.s32 $0xFFFFEC00  }
0xa5: {  	_ =	swait.ge [sflag:s4], $0x1400  }
0xa6: {  	[sflag:s4] =	ssyncset.done $0x0  }
0xa7: {  	s6 =	simm.s32 $0x0;
	[sflag:s4] =	ssyncadd.s32 $0xFFFFEC00  }
0xa8: {  	v0 =	vld [tilespmem:s6+$0x18700];
	_ =	sdelay $0x5  }
0xa9: {  	v1 =	vld [tilespmem:s6+$0x18710];
	_ =	sdelay $0x1  }
0xaa: {  	v0 =	vld.idx.msk [tilespmem:v0+s2+$0x0], $0xffff;
	_ =	sdelay $0x4  }
0xab: {  	[tilespmem:s6+$0x1AF00] =	vst v0;
	v0 =	vld [tilespmem:s6+$0x18720]  }
0xac: {  	v1 =	vld.idx.msk [tilespmem:v1+s2+$0x0], $0xffff;
	_ =	sdelay $0x4  }
0xad: {  	[tilespmem:s6+$0x1AF10] =	vst v1;
	v1 =	vld [tilespmem:s6+$0x18730];
	_ =	sdelay $0x1  }
0xae: {  	v0 =	vld.idx.msk [tilespmem:v0+s2+$0x0], $0xffff;
	_ =	sdelay $0x4  }
0xaf: {  	[tilespmem:s6+$0x1AF20] =	vst v0;
	v0 =	vld [tilespmem:s6+$0x18740]  }
0xb0: {  	v1 =	vld.idx.msk [tilespmem:v1+s2+$0x0], $0xffff;
	_ =	sdelay $0x4  }
0xb1: {  	[tilespmem:s6+$0x1AF30] =	vst v1;
	v1 =	vld [tilespmem:s6+$0x18750];
	_ =	sdelay $0x1  }
0xb2: {  	v0 =	vld.idx.msk [tilespmem:v0+s2+$0x0], $0xffff;
	_ =	sdelay $0x4  }
0xb3: {  	v2 =	vld [tilespmem:s6+$0x18760];
	[tilespmem:s6+$0x1AF40] =	vst v0  }
0xb4: {  	v0 =	vld.idx.msk [tilespmem:v1+s2+$0x0], $0xffff;
	_ =	sdelay $0x4  }
0xb5: {  	[tilespmem:s6+$0x1AF50] =	vst v0;
	v0 =	vld [tilespmem:s6+$0x18770];
	_ =	sdelay $0x1  }
0xb6: {  	v1 =	vld.idx.msk [tilespmem:v2+s2+$0x0], $0xffff;
	_ =	sdelay $0x3  }
0xb7: {  	s7 =	simm.s32 $0x400;
	s8 =	simm.s32 $0x80  }
.LBB2_6:
0xb8: {  	p0 =	sne.s32 s7, $0x4E00;
	v2 =	vld [tilespmem:s8+$0x18700];
	[tilespmem:s6+$0x1AF60] =	vst v1  }
0xb9: {  	v0 =	vld.idx.msk [tilespmem:v0+s2+$0x0], $0xffff;
	_ =	sdelay $0x5  }
0xba: {  	v1 =	vld [tilespmem:s8+$0x18710];
	[tilespmem:s6+$0x1AF70] =	vst v0;
	s6 =	smov.u32 s8  }
0xbb: {  	v0 =	vld.idx.msk [tilespmem:v2+s2+$0x0], $0xffff;
	_ =	sdelay $0x5  }
0xbc: {  	[tilespmem:s6+$0x1AF00] =	vst v0;
	v0 =	vld [tilespmem:s6+$0x18720]  }
0xbd: {  	v1 =	vld.idx.msk [tilespmem:v1+s2+$0x0], $0xffff;
	_ =	sdelay $0x5  }
0xbe: {  	[tilespmem:s6+$0x1AF10] =	vst v1;
	v1 =	vld [tilespmem:s6+$0x18730]  }
0xbf: {  	v0 =	vld.idx.msk [tilespmem:v0+s2+$0x0], $0xffff;
	_ =	sdelay $0x5  }
0xc0: {  	[tilespmem:s6+$0x1AF20] =	vst v0;
	v0 =	vld [tilespmem:s6+$0x18740]  }
0xc1: {  	v1 =	vld.idx.msk [tilespmem:v1+s2+$0x0], $0xffff;
	_ =	sdelay $0x5  }
0xc2: {  	[tilespmem:s6+$0x1AF30] =	vst v1;
	v1 =	vld [tilespmem:s6+$0x18750]  }
0xc3: {  	v0 =	vld.idx.msk [tilespmem:v0+s2+$0x0], $0xffff;
	_ =	sdelay $0x5  }
0xc4: {  	[tilespmem:s6+$0x1AF40] =	vst v0;
	v2 =	vld [tilespmem:s6+$0x18760]  }
0xc5: {  	v0 =	vld.idx.msk [tilespmem:v1+s2+$0x0], $0xffff;
	_ =	sdelay $0x5  }
0xc6: {  	[tilespmem:s6+$0x1AF50] =	vst v0;
	v0 =	vld [tilespmem:s6+$0x18770]  }
0xc7: {  	v1 =	vld.idx.msk [tilespmem:v2+s2+$0x0], $0xffff  }
.Ltmp2:
0xc8: {  	(pc) =	sbr.rel @p0 .LBB2_6-.Ltmp2, $2  }
0xc9: {  	_ =	sdelay $0x2  }
0xca: {  	s8 =	sshra.s32 s7, $0x2;
	s7 =	sadd.s32 $0x200, s7  }
0xcb: {  	_ =	sdelay $0x1  }
0xcc: {  	v2 =	vld [tilespmem:s8+$0x18700]  }
0xcd: {  	[tilespmem:s6+$0x1AF60] =	vst v1  }
0xce: {  	v0 =	vld.idx.msk [tilespmem:v0+s2+$0x0], $0xffff;
	_ =	sdelay $0x3  }
0xcf: {  	v1 =	vld [tilespmem:s8+$0x18710]  }
0xd0: {  	[tilespmem:s6+$0x1AF70] =	vst v0  }
0xd1: {  	v0 =	vld.idx.msk [tilespmem:v2+s2+$0x0], $0xffff;
	_ =	sdelay $0x4  }
0xd2: {  	[tilespmem:s8+$0x1AF00] =	vst v0;
	v0 =	vld [tilespmem:s8+$0x18720]  }
0xd3: {  	v1 =	vld.idx.msk [tilespmem:v1+s2+$0x0], $0xffff;
	_ =	sdelay $0x4  }
0xd4: {  	[tilespmem:s8+$0x1AF10] =	vst v1;
	v1 =	vld [tilespmem:s8+$0x18730];
	_ =	sdelay $0x1  }
0xd5: {  	v0 =	vld.idx.msk [tilespmem:v0+s2+$0x0], $0xffff;
	_ =	sdelay $0x4  }
0xd6: {  	[tilespmem:s8+$0x1AF20] =	vst v0;
	v0 =	vld [tilespmem:s8+$0x18740]  }
0xd7: {  	v1 =	vld.idx.msk [tilespmem:v1+s2+$0x0], $0xffff;
	_ =	sdelay $0x4  }
0xd8: {  	[tilespmem:s8+$0x1AF30] =	vst v1;
	v1 =	vld [tilespmem:s8+$0x18750];
	_ =	sdelay $0x1  }
0xd9: {  	v0 =	vld.idx.msk [tilespmem:v0+s2+$0x0], $0xffff;
	_ =	sdelay $0x4  }
0xda: {  	[tilespmem:s8+$0x1AF40] =	vst v0;
	v0 =	vld [tilespmem:s8+$0x18760]  }
0xdb: {  	v1 =	vld.idx.msk [tilespmem:v1+s2+$0x0], $0xffff;
	_ =	sdelay $0x4  }
0xdc: {  	[tilespmem:s8+$0x1AF50] =	vst v1;
	v1 =	vld [tilespmem:s8+$0x18770];
	_ =	sdelay $0x1  }
0xdd: {  	v0 =	vld.idx.msk [tilespmem:v0+s2+$0x0], $0xffff;
	_ =	sdelay $0x4  }
0xde: {  	[tilespmem:s8+$0x1AF60] =	vst v0  }
0xdf: {  	v0 =	vld.idx.msk [tilespmem:v1+s2+$0x0], $0xffff;
	_ =	sdelay $0x4  }
0xe0: {  	[tilespmem:s8+$0x1AF70] =	vst v0  }
0xe1: {  	[hbm4b:s10+s25] =	stream.strided.scatter [tilespmem:s1], [sflag:$0x2], $0x1400, s29, s25, $0x38;
	[tilespmem:$0x1D700] =	vst v63  }
0xe2: {  	_ = 	snop  }
0xe3: {  	[tilespmem:s28], [sflag:$0x1] =	stream.strided.gather [hbm4b:s11+s25], $0x1400, s26, s25, $0x38;
	[tilespmem:$0x1D700] =	vst v63  }
0xe4: {  	_ =	swait.ge [sflag:s0], $0x1400  }
0xe5: {  	[sflag:s0] =	ssyncset.done $0x0  }
0xe6: {  	[sflag:s0] =	ssyncadd.s32 $0xFFFFEC00  }
0xe7: {  	_ =	swait.ge [sflag:s4], $0x1400  }
0xe8: {  	[sflag:s4] =	ssyncset.done $0x0  }
0xe9: {  	s6 =	simm.s32 $0x0;
	[sflag:s4] =	ssyncadd.s32 $0xFFFFEC00  }
0xea: {  	v0 =	vld [tilespmem:s6+$0x19B00];
	_ =	sdelay $0x5  }
0xeb: {  	v1 =	vld [tilespmem:s6+$0x19B10];
	_ =	sdelay $0x1  }
0xec: {  	v0 =	vld.idx.msk [tilespmem:v0+s2+$0x0], $0xffff;
	_ =	sdelay $0x4  }
0xed: {  	[tilespmem:s6+$0x1C300] =	vst v0;
	v0 =	vld [tilespmem:s6+$0x19B20]  }
0xee: {  	v1 =	vld.idx.msk [tilespmem:v1+s2+$0x0], $0xffff;
	_ =	sdelay $0x4  }
0xef: {  	[tilespmem:s6+$0x1C310] =	vst v1;
	v1 =	vld [tilespmem:s6+$0x19B30];
	_ =	sdelay $0x1  }
0xf0: {  	v0 =	vld.idx.msk [tilespmem:v0+s2+$0x0], $0xffff;
	_ =	sdelay $0x4  }
0xf1: {  	[tilespmem:s6+$0x1C320] =	vst v0;
	v0 =	vld [tilespmem:s6+$0x19B40]  }
0xf2: {  	v1 =	vld.idx.msk [tilespmem:v1+s2+$0x0], $0xffff;
	_ =	sdelay $0x4  }
0xf3: {  	[tilespmem:s6+$0x1C330] =	vst v1;
	v1 =	vld [tilespmem:s6+$0x19B50];
	_ =	sdelay $0x1  }
0xf4: {  	v0 =	vld.idx.msk [tilespmem:v0+s2+$0x0], $0xffff;
	_ =	sdelay $0x4  }
0xf5: {  	v2 =	vld [tilespmem:s6+$0x19B60];
	[tilespmem:s6+$0x1C340] =	vst v0  }
0xf6: {  	v0 =	vld.idx.msk [tilespmem:v1+s2+$0x0], $0xffff;
	_ =	sdelay $0x4  }
0xf7: {  	[tilespmem:s6+$0x1C350] =	vst v0;
	v0 =	vld [tilespmem:s6+$0x19B70];
	_ =	sdelay $0x1  }
0xf8: {  	v1 =	vld.idx.msk [tilespmem:v2+s2+$0x0], $0xffff;
	_ =	sdelay $0x3  }
0xf9: {  	s7 =	simm.s32 $0x400;
	s8 =	simm.s32 $0x80  }
.LBB2_8:
0xfa: {  	p0 =	sne.s32 s7, $0x4E00;
	v2 =	vld [tilespmem:s8+$0x19B00];
	[tilespmem:s6+$0x1C360] =	vst v1  }
0xfb: {  	v0 =	vld.idx.msk [tilespmem:v0+s2+$0x0], $0xffff;
	_ =	sdelay $0x5  }
0xfc: {  	v1 =	vld [tilespmem:s8+$0x19B10];
	[tilespmem:s6+$0x1C370] =	vst v0;
	s6 =	smov.u32 s8  }
0xfd: {  	v0 =	vld.idx.msk [tilespmem:v2+s2+$0x0], $0xffff;
	_ =	sdelay $0x5  }
0xfe: {  	[tilespmem:s6+$0x1C300] =	vst v0;
	v0 =	vld [tilespmem:s6+$0x19B20]  }
0xff: {  	v1 =	vld.idx.msk [tilespmem:v1+s2+$0x0], $0xffff;
	_ =	sdelay $0x5  }
0x100: {  	[tilespmem:s6+$0x1C310] =	vst v1;
	v1 =	vld [tilespmem:s6+$0x19B30]  }
0x101: {  	v0 =	vld.idx.msk [tilespmem:v0+s2+$0x0], $0xffff;
	_ =	sdelay $0x5  }
0x102: {  	[tilespmem:s6+$0x1C320] =	vst v0;
	v0 =	vld [tilespmem:s6+$0x19B40]  }
0x103: {  	v1 =	vld.idx.msk [tilespmem:v1+s2+$0x0], $0xffff;
	_ =	sdelay $0x5  }
0x104: {  	[tilespmem:s6+$0x1C330] =	vst v1;
	v1 =	vld [tilespmem:s6+$0x19B50]  }
0x105: {  	v0 =	vld.idx.msk [tilespmem:v0+s2+$0x0], $0xffff;
	_ =	sdelay $0x5  }
0x106: {  	[tilespmem:s6+$0x1C340] =	vst v0;
	v2 =	vld [tilespmem:s6+$0x19B60]  }
0x107: {  	v0 =	vld.idx.msk [tilespmem:v1+s2+$0x0], $0xffff;
	_ =	sdelay $0x5  }
0x108: {  	[tilespmem:s6+$0x1C350] =	vst v0;
	v0 =	vld [tilespmem:s6+$0x19B70]  }
0x109: {  	v1 =	vld.idx.msk [tilespmem:v2+s2+$0x0], $0xffff  }
.Ltmp3:
0x10a: {  	(pc) =	sbr.rel @p0 .LBB2_8-.Ltmp3, $2  }
0x10b: {  	_ =	sdelay $0x2  }
0x10c: {  	s8 =	sshra.s32 s7, $0x2;
	s7 =	sadd.s32 $0x200, s7  }
0x10d: {  	_ =	sdelay $0x1  }
0x10e: {  	v2 =	vld [tilespmem:s8+$0x19B00]  }
0x10f: {  	[tilespmem:s6+$0x1C360] =	vst v1  }
0x110: {  	v0 =	vld.idx.msk [tilespmem:v0+s2+$0x0], $0xffff;
	_ =	sdelay $0x3  }
0x111: {  	v1 =	vld [tilespmem:s8+$0x19B10]  }
0x112: {  	[tilespmem:s6+$0x1C370] =	vst v0  }
0x113: {  	v0 =	vld.idx.msk [tilespmem:v2+s2+$0x0], $0xffff;
	_ =	sdelay $0x4  }
0x114: {  	[tilespmem:s8+$0x1C300] =	vst v0;
	v0 =	vld [tilespmem:s8+$0x19B20]  }
0x115: {  	v1 =	vld.idx.msk [tilespmem:v1+s2+$0x0], $0xffff;
	_ =	sdelay $0x4  }
0x116: {  	[tilespmem:s8+$0x1C310] =	vst v1;
	v1 =	vld [tilespmem:s8+$0x19B30];
	_ =	sdelay $0x1  }
0x117: {  	v0 =	vld.idx.msk [tilespmem:v0+s2+$0x0], $0xffff;
	_ =	sdelay $0x4  }
0x118: {  	[tilespmem:s8+$0x1C320] =	vst v0;
	v0 =	vld [tilespmem:s8+$0x19B40]  }
0x119: {  	v1 =	vld.idx.msk [tilespmem:v1+s2+$0x0], $0xffff;
	_ =	sdelay $0x4  }
0x11a: {  	[tilespmem:s8+$0x1C330] =	vst v1;
	v1 =	vld [tilespmem:s8+$0x19B50];
	_ =	sdelay $0x1  }
0x11b: {  	v0 =	vld.idx.msk [tilespmem:v0+s2+$0x0], $0xffff;
	_ =	sdelay $0x4  }
0x11c: {  	[tilespmem:s8+$0x1C340] =	vst v0;
	v0 =	vld [tilespmem:s8+$0x19B60]  }
0x11d: {  	v1 =	vld.idx.msk [tilespmem:v1+s2+$0x0], $0xffff;
	_ =	sdelay $0x4  }
0x11e: {  	[tilespmem:s8+$0x1C350] =	vst v1;
	v1 =	vld [tilespmem:s8+$0x19B70];
	_ =	sdelay $0x1  }
0x11f: {  	v0 =	vld.idx.msk [tilespmem:v0+s2+$0x0], $0xffff;
	_ =	sdelay $0x4  }
0x120: {  	[tilespmem:s8+$0x1C360] =	vst v0  }
0x121: {  	v0 =	vld.idx.msk [tilespmem:v1+s2+$0x0], $0xffff;
	_ =	sdelay $0x4  }
0x122: {  	[tilespmem:s8+$0x1C370] =	vst v0  }
0x123: {  	[hbm4b:s12+s25] =	stream.strided.scatter [tilespmem:s3], [sflag:$0x2], $0x1400, s29, s25, $0x38;
	[tilespmem:$0x1D700] =	vst v63  }
0x124: {  	_ = 	snop  }
0x125: {  	[tilespmem:s31], [sflag:$0x1] =	stream.strided.gather [hbm4b:s13+s25], $0x1400, s26, s25, $0x38;
	[tilespmem:$0x1D700] =	vst v63  }
0x126: {  	_ =	swait.ge [sflag:s0], $0x1400  }
0x127: {  	[sflag:s0] =	ssyncset.done $0x0  }
0x128: {  	[sflag:s0] =	ssyncadd.s32 $0xFFFFEC00  }
0x129: {  	_ =	swait.ge [sflag:s4], $0x1400  }
0x12a: {  	[sflag:s4] =	ssyncset.done $0x0  }
0x12b: {  	s6 =	simm.s32 $0x0;
	[sflag:s4] =	ssyncadd.s32 $0xFFFFEC00  }
0x12c: {  	v0 =	vld [tilespmem:s6+$0x18700];
	_ =	sdelay $0x5  }
0x12d: {  	v1 =	vld [tilespmem:s6+$0x18710];
	_ =	sdelay $0x1  }
0x12e: {  	v0 =	vld.idx.msk [tilespmem:v0+s2+$0x0], $0xffff;
	_ =	sdelay $0x4  }
0x12f: {  	[tilespmem:s6+$0x1AF00] =	vst v0;
	v0 =	vld [tilespmem:s6+$0x18720]  }
0x130: {  	v1 =	vld.idx.msk [tilespmem:v1+s2+$0x0], $0xffff;
	_ =	sdelay $0x4  }
0x131: {  	[tilespmem:s6+$0x1AF10] =	vst v1;
	v1 =	vld [tilespmem:s6+$0x18730];
	_ =	sdelay $0x1  }
0x132: {  	v0 =	vld.idx.msk [tilespmem:v0+s2+$0x0], $0xffff;
	_ =	sdelay $0x4  }
0x133: {  	[tilespmem:s6+$0x1AF20] =	vst v0;
	v0 =	vld [tilespmem:s6+$0x18740]  }
0x134: {  	v1 =	vld.idx.msk [tilespmem:v1+s2+$0x0], $0xffff;
	_ =	sdelay $0x4  }
0x135: {  	[tilespmem:s6+$0x1AF30] =	vst v1;
	v1 =	vld [tilespmem:s6+$0x18750];
	_ =	sdelay $0x1  }
0x136: {  	v0 =	vld.idx.msk [tilespmem:v0+s2+$0x0], $0xffff;
	_ =	sdelay $0x4  }
0x137: {  	v2 =	vld [tilespmem:s6+$0x18760];
	[tilespmem:s6+$0x1AF40] =	vst v0  }
0x138: {  	v0 =	vld.idx.msk [tilespmem:v1+s2+$0x0], $0xffff;
	_ =	sdelay $0x4  }
0x139: {  	[tilespmem:s6+$0x1AF50] =	vst v0;
	v0 =	vld [tilespmem:s6+$0x18770];
	_ =	sdelay $0x1  }
0x13a: {  	v1 =	vld.idx.msk [tilespmem:v2+s2+$0x0], $0xffff;
	_ =	sdelay $0x3  }
0x13b: {  	s7 =	simm.s32 $0x400;
	s8 =	simm.s32 $0x80  }
.LBB2_10:
0x13c: {  	p0 =	sne.s32 s7, $0x4E00;
	v2 =	vld [tilespmem:s8+$0x18700];
	[tilespmem:s6+$0x1AF60] =	vst v1  }
0x13d: {  	v0 =	vld.idx.msk [tilespmem:v0+s2+$0x0], $0xffff;
	_ =	sdelay $0x5  }
0x13e: {  	v1 =	vld [tilespmem:s8+$0x18710];
	[tilespmem:s6+$0x1AF70] =	vst v0;
	s6 =	smov.u32 s8  }
0x13f: {  	v0 =	vld.idx.msk [tilespmem:v2+s2+$0x0], $0xffff;
	_ =	sdelay $0x5  }
0x140: {  	[tilespmem:s6+$0x1AF00] =	vst v0;
	v0 =	vld [tilespmem:s6+$0x18720]  }
0x141: {  	v1 =	vld.idx.msk [tilespmem:v1+s2+$0x0], $0xffff;
	_ =	sdelay $0x5  }
0x142: {  	[tilespmem:s6+$0x1AF10] =	vst v1;
	v1 =	vld [tilespmem:s6+$0x18730]  }
0x143: {  	v0 =	vld.idx.msk [tilespmem:v0+s2+$0x0], $0xffff;
	_ =	sdelay $0x5  }
0x144: {  	[tilespmem:s6+$0x1AF20] =	vst v0;
	v0 =	vld [tilespmem:s6+$0x18740]  }
0x145: {  	v1 =	vld.idx.msk [tilespmem:v1+s2+$0x0], $0xffff;
	_ =	sdelay $0x5  }
0x146: {  	[tilespmem:s6+$0x1AF30] =	vst v1;
	v1 =	vld [tilespmem:s6+$0x18750]  }
0x147: {  	v0 =	vld.idx.msk [tilespmem:v0+s2+$0x0], $0xffff;
	_ =	sdelay $0x5  }
0x148: {  	[tilespmem:s6+$0x1AF40] =	vst v0;
	v2 =	vld [tilespmem:s6+$0x18760]  }
0x149: {  	v0 =	vld.idx.msk [tilespmem:v1+s2+$0x0], $0xffff;
	_ =	sdelay $0x5  }
0x14a: {  	[tilespmem:s6+$0x1AF50] =	vst v0;
	v0 =	vld [tilespmem:s6+$0x18770]  }
0x14b: {  	v1 =	vld.idx.msk [tilespmem:v2+s2+$0x0], $0xffff  }
.Ltmp4:
0x14c: {  	(pc) =	sbr.rel @p0 .LBB2_10-.Ltmp4, $2  }
0x14d: {  	_ =	sdelay $0x2  }
0x14e: {  	s8 =	sshra.s32 s7, $0x2;
	s7 =	sadd.s32 $0x200, s7  }
0x14f: {  	_ =	sdelay $0x1  }
0x150: {  	v2 =	vld [tilespmem:s8+$0x18700]  }
0x151: {  	[tilespmem:s6+$0x1AF60] =	vst v1  }
0x152: {  	v0 =	vld.idx.msk [tilespmem:v0+s2+$0x0], $0xffff;
	_ =	sdelay $0x3  }
0x153: {  	v1 =	vld [tilespmem:s8+$0x18710]  }
0x154: {  	[tilespmem:s6+$0x1AF70] =	vst v0  }
0x155: {  	v0 =	vld.idx.msk [tilespmem:v2+s2+$0x0], $0xffff;
	_ =	sdelay $0x4  }
0x156: {  	[tilespmem:s8+$0x1AF00] =	vst v0;
	v0 =	vld [tilespmem:s8+$0x18720]  }
0x157: {  	v1 =	vld.idx.msk [tilespmem:v1+s2+$0x0], $0xffff;
	_ =	sdelay $0x4  }
0x158: {  	[tilespmem:s8+$0x1AF10] =	vst v1;
	v1 =	vld [tilespmem:s8+$0x18730];
	_ =	sdelay $0x1  }
0x159: {  	v0 =	vld.idx.msk [tilespmem:v0+s2+$0x0], $0xffff;
	_ =	sdelay $0x4  }
0x15a: {  	[tilespmem:s8+$0x1AF20] =	vst v0;
	v0 =	vld [tilespmem:s8+$0x18740]  }
0x15b: {  	v1 =	vld.idx.msk [tilespmem:v1+s2+$0x0], $0xffff;
	_ =	sdelay $0x4  }
0x15c: {  	[tilespmem:s8+$0x1AF30] =	vst v1;
	v1 =	vld [tilespmem:s8+$0x18750];
	_ =	sdelay $0x1  }
0x15d: {  	v0 =	vld.idx.msk [tilespmem:v0+s2+$0x0], $0xffff;
	_ =	sdelay $0x4  }
0x15e: {  	[tilespmem:s8+$0x1AF40] =	vst v0;
	v0 =	vld [tilespmem:s8+$0x18760]  }
0x15f: {  	v1 =	vld.idx.msk [tilespmem:v1+s2+$0x0], $0xffff;
	_ =	sdelay $0x4  }
0x160: {  	[tilespmem:s8+$0x1AF50] =	vst v1;
	v1 =	vld [tilespmem:s8+$0x18770];
	_ =	sdelay $0x1  }
0x161: {  	v0 =	vld.idx.msk [tilespmem:v0+s2+$0x0], $0xffff;
	_ =	sdelay $0x4  }
0x162: {  	[tilespmem:s8+$0x1AF60] =	vst v0  }
0x163: {  	v0 =	vld.idx.msk [tilespmem:v1+s2+$0x0], $0xffff;
	_ =	sdelay $0x4  }
0x164: {  	[tilespmem:s8+$0x1AF70] =	vst v0  }
0x165: {  	[hbm4b:s14+s25] =	stream.strided.scatter [tilespmem:s1], [sflag:$0x2], $0x1400, s29, s25, $0x38;
	[tilespmem:$0x1D700] =	vst v63  }
0x166: {  	_ = 	snop  }
0x167: {  	[tilespmem:s28], [sflag:$0x1] =	stream.strided.gather [hbm4b:s15+s25], $0x1400, s26, s25, $0x38;
	[tilespmem:$0x1D700] =	vst v63  }
0x168: {  	_ =	swait.ge [sflag:s0], $0x1400  }
0x169: {  	[sflag:s0] =	ssyncset.done $0x0  }
0x16a: {  	[sflag:s0] =	ssyncadd.s32 $0xFFFFEC00  }
0x16b: {  	_ =	swait.ge [sflag:s4], $0x1400  }
0x16c: {  	[sflag:s4] =	ssyncset.done $0x0  }
0x16d: {  	s6 =	simm.s32 $0x0;
	[sflag:s4] =	ssyncadd.s32 $0xFFFFEC00  }
0x16e: {  	v0 =	vld [tilespmem:s6+$0x19B00];
	_ =	sdelay $0x5  }
0x16f: {  	v1 =	vld [tilespmem:s6+$0x19B10];
	_ =	sdelay $0x1  }
0x170: {  	v0 =	vld.idx.msk [tilespmem:v0+s2+$0x0], $0xffff;
	_ =	sdelay $0x4  }
0x171: {  	[tilespmem:s6+$0x1C300] =	vst v0;
	v0 =	vld [tilespmem:s6+$0x19B20]  }
0x172: {  	v1 =	vld.idx.msk [tilespmem:v1+s2+$0x0], $0xffff;
	_ =	sdelay $0x4  }
0x173: {  	[tilespmem:s6+$0x1C310] =	vst v1;
	v1 =	vld [tilespmem:s6+$0x19B30];
	_ =	sdelay $0x1  }
0x174: {  	v0 =	vld.idx.msk [tilespmem:v0+s2+$0x0], $0xffff;
	_ =	sdelay $0x4  }
0x175: {  	[tilespmem:s6+$0x1C320] =	vst v0;
	v0 =	vld [tilespmem:s6+$0x19B40]  }
0x176: {  	v1 =	vld.idx.msk [tilespmem:v1+s2+$0x0], $0xffff;
	_ =	sdelay $0x4  }
0x177: {  	[tilespmem:s6+$0x1C330] =	vst v1;
	v1 =	vld [tilespmem:s6+$0x19B50];
	_ =	sdelay $0x1  }
0x178: {  	v0 =	vld.idx.msk [tilespmem:v0+s2+$0x0], $0xffff;
	_ =	sdelay $0x4  }
0x179: {  	v2 =	vld [tilespmem:s6+$0x19B60];
	[tilespmem:s6+$0x1C340] =	vst v0  }
0x17a: {  	v0 =	vld.idx.msk [tilespmem:v1+s2+$0x0], $0xffff;
	_ =	sdelay $0x4  }
0x17b: {  	[tilespmem:s6+$0x1C350] =	vst v0;
	v0 =	vld [tilespmem:s6+$0x19B70];
	_ =	sdelay $0x1  }
0x17c: {  	v1 =	vld.idx.msk [tilespmem:v2+s2+$0x0], $0xffff;
	_ =	sdelay $0x3  }
0x17d: {  	s7 =	simm.s32 $0x400;
	s8 =	simm.s32 $0x80  }
.LBB2_12:
0x17e: {  	p0 =	sne.s32 s7, $0x4E00;
	v2 =	vld [tilespmem:s8+$0x19B00];
	[tilespmem:s6+$0x1C360] =	vst v1  }
0x17f: {  	v0 =	vld.idx.msk [tilespmem:v0+s2+$0x0], $0xffff;
	_ =	sdelay $0x5  }
0x180: {  	v1 =	vld [tilespmem:s8+$0x19B10];
	[tilespmem:s6+$0x1C370] =	vst v0;
	s6 =	smov.u32 s8  }
0x181: {  	v0 =	vld.idx.msk [tilespmem:v2+s2+$0x0], $0xffff;
	_ =	sdelay $0x5  }
0x182: {  	[tilespmem:s6+$0x1C300] =	vst v0;
	v0 =	vld [tilespmem:s6+$0x19B20]  }
0x183: {  	v1 =	vld.idx.msk [tilespmem:v1+s2+$0x0], $0xffff;
	_ =	sdelay $0x5  }
0x184: {  	[tilespmem:s6+$0x1C310] =	vst v1;
	v1 =	vld [tilespmem:s6+$0x19B30]  }
0x185: {  	v0 =	vld.idx.msk [tilespmem:v0+s2+$0x0], $0xffff;
	_ =	sdelay $0x5  }
0x186: {  	[tilespmem:s6+$0x1C320] =	vst v0;
	v0 =	vld [tilespmem:s6+$0x19B40]  }
0x187: {  	v1 =	vld.idx.msk [tilespmem:v1+s2+$0x0], $0xffff;
	_ =	sdelay $0x5  }
0x188: {  	[tilespmem:s6+$0x1C330] =	vst v1;
	v1 =	vld [tilespmem:s6+$0x19B50]  }
0x189: {  	v0 =	vld.idx.msk [tilespmem:v0+s2+$0x0], $0xffff;
	_ =	sdelay $0x5  }
0x18a: {  	[tilespmem:s6+$0x1C340] =	vst v0;
	v2 =	vld [tilespmem:s6+$0x19B60]  }
0x18b: {  	v0 =	vld.idx.msk [tilespmem:v1+s2+$0x0], $0xffff;
	_ =	sdelay $0x5  }
0x18c: {  	[tilespmem:s6+$0x1C350] =	vst v0;
	v0 =	vld [tilespmem:s6+$0x19B70]  }
0x18d: {  	v1 =	vld.idx.msk [tilespmem:v2+s2+$0x0], $0xffff  }
.Ltmp5:
0x18e: {  	(pc) =	sbr.rel @p0 .LBB2_12-.Ltmp5, $2  }
0x18f: {  	_ =	sdelay $0x2  }
0x190: {  	s8 =	sshra.s32 s7, $0x2;
	s7 =	sadd.s32 $0x200, s7  }
0x191: {  	_ =	sdelay $0x1  }
0x192: {  	v2 =	vld [tilespmem:s8+$0x19B00]  }
0x193: {  	[tilespmem:s6+$0x1C360] =	vst v1  }
0x194: {  	v0 =	vld.idx.msk [tilespmem:v0+s2+$0x0], $0xffff;
	_ =	sdelay $0x3  }
0x195: {  	v1 =	vld [tilespmem:s8+$0x19B10]  }
0x196: {  	[tilespmem:s6+$0x1C370] =	vst v0  }
0x197: {  	v0 =	vld.idx.msk [tilespmem:v2+s2+$0x0], $0xffff;
	_ =	sdelay $0x4  }
0x198: {  	[tilespmem:s8+$0x1C300] =	vst v0;
	v0 =	vld [tilespmem:s8+$0x19B20]  }
0x199: {  	v1 =	vld.idx.msk [tilespmem:v1+s2+$0x0], $0xffff;
	_ =	sdelay $0x4  }
0x19a: {  	[tilespmem:s8+$0x1C310] =	vst v1;
	v1 =	vld [tilespmem:s8+$0x19B30];
	_ =	sdelay $0x1  }
0x19b: {  	v0 =	vld.idx.msk [tilespmem:v0+s2+$0x0], $0xffff;
	_ =	sdelay $0x4  }
0x19c: {  	[tilespmem:s8+$0x1C320] =	vst v0;
	v0 =	vld [tilespmem:s8+$0x19B40]  }
0x19d: {  	v1 =	vld.idx.msk [tilespmem:v1+s2+$0x0], $0xffff;
	_ =	sdelay $0x4  }
0x19e: {  	[tilespmem:s8+$0x1C330] =	vst v1;
	v1 =	vld [tilespmem:s8+$0x19B50];
	_ =	sdelay $0x1  }
0x19f: {  	v0 =	vld.idx.msk [tilespmem:v0+s2+$0x0], $0xffff;
	_ =	sdelay $0x4  }
0x1a0: {  	[tilespmem:s8+$0x1C340] =	vst v0;
	v0 =	vld [tilespmem:s8+$0x19B60]  }
0x1a1: {  	v1 =	vld.idx.msk [tilespmem:v1+s2+$0x0], $0xffff;
	_ =	sdelay $0x4  }
0x1a2: {  	[tilespmem:s8+$0x1C350] =	vst v1;
	v1 =	vld [tilespmem:s8+$0x19B70];
	_ =	sdelay $0x1  }
0x1a3: {  	v0 =	vld.idx.msk [tilespmem:v0+s2+$0x0], $0xffff;
	_ =	sdelay $0x4  }
0x1a4: {  	[tilespmem:s8+$0x1C360] =	vst v0  }
0x1a5: {  	v0 =	vld.idx.msk [tilespmem:v1+s2+$0x0], $0xffff;
	_ =	sdelay $0x4  }
0x1a6: {  	[tilespmem:s8+$0x1C370] =	vst v0  }
0x1a7: {  	[hbm4b:s16+s25] =	stream.strided.scatter [tilespmem:s3], [sflag:$0x2], $0x1400, s29, s25, $0x38;
	[tilespmem:$0x1D700] =	vst v63  }
0x1a8: {  	_ = 	snop  }
0x1a9: {  	[tilespmem:s31], [sflag:$0x1] =	stream.strided.gather [hbm4b:s17+s25], $0x1400, s26, s25, $0x38;
	[tilespmem:$0x1D700] =	vst v63  }
0x1aa: {  	_ =	swait.ge [sflag:s0], $0x1400  }
0x1ab: {  	[sflag:s0] =	ssyncset.done $0x0  }
0x1ac: {  	[sflag:s0] =	ssyncadd.s32 $0xFFFFEC00  }
0x1ad: {  	_ =	swait.ge [sflag:s4], $0x1400  }
0x1ae: {  	[sflag:s4] =	ssyncset.done $0x0  }
0x1af: {  	s6 =	simm.s32 $0x0;
	[sflag:s4] =	ssyncadd.s32 $0xFFFFEC00  }
0x1b0: {  	v0 =	vld [tilespmem:s6+$0x18700];
	_ =	sdelay $0x5  }
0x1b1: {  	v1 =	vld [tilespmem:s6+$0x18710];
	_ =	sdelay $0x1  }
0x1b2: {  	v0 =	vld.idx.msk [tilespmem:v0+s2+$0x0], $0xffff;
	_ =	sdelay $0x4  }
0x1b3: {  	[tilespmem:s6+$0x1AF00] =	vst v0;
	v0 =	vld [tilespmem:s6+$0x18720]  }
0x1b4: {  	v1 =	vld.idx.msk [tilespmem:v1+s2+$0x0], $0xffff;
	_ =	sdelay $0x4  }
0x1b5: {  	[tilespmem:s6+$0x1AF10] =	vst v1;
	v1 =	vld [tilespmem:s6+$0x18730];
	_ =	sdelay $0x1  }
0x1b6: {  	v0 =	vld.idx.msk [tilespmem:v0+s2+$0x0], $0xffff;
	_ =	sdelay $0x4  }
0x1b7: {  	[tilespmem:s6+$0x1AF20] =	vst v0;
	v0 =	vld [tilespmem:s6+$0x18740]  }
0x1b8: {  	v1 =	vld.idx.msk [tilespmem:v1+s2+$0x0], $0xffff;
	_ =	sdelay $0x4  }
0x1b9: {  	[tilespmem:s6+$0x1AF30] =	vst v1;
	v1 =	vld [tilespmem:s6+$0x18750];
	_ =	sdelay $0x1  }
0x1ba: {  	v0 =	vld.idx.msk [tilespmem:v0+s2+$0x0], $0xffff;
	_ =	sdelay $0x4  }
0x1bb: {  	v2 =	vld [tilespmem:s6+$0x18760];
	[tilespmem:s6+$0x1AF40] =	vst v0  }
0x1bc: {  	v0 =	vld.idx.msk [tilespmem:v1+s2+$0x0], $0xffff;
	_ =	sdelay $0x4  }
0x1bd: {  	[tilespmem:s6+$0x1AF50] =	vst v0;
	v0 =	vld [tilespmem:s6+$0x18770];
	_ =	sdelay $0x1  }
0x1be: {  	v1 =	vld.idx.msk [tilespmem:v2+s2+$0x0], $0xffff;
	_ =	sdelay $0x3  }
0x1bf: {  	s7 =	simm.s32 $0x400;
	s8 =	simm.s32 $0x80  }
.LBB2_14:
0x1c0: {  	p0 =	sne.s32 s7, $0x4E00;
	v2 =	vld [tilespmem:s8+$0x18700];
	[tilespmem:s6+$0x1AF60] =	vst v1  }
0x1c1: {  	v0 =	vld.idx.msk [tilespmem:v0+s2+$0x0], $0xffff;
	_ =	sdelay $0x5  }
0x1c2: {  	v1 =	vld [tilespmem:s8+$0x18710];
	[tilespmem:s6+$0x1AF70] =	vst v0;
	s6 =	smov.u32 s8  }
0x1c3: {  	v0 =	vld.idx.msk [tilespmem:v2+s2+$0x0], $0xffff;
	_ =	sdelay $0x5  }
0x1c4: {  	[tilespmem:s6+$0x1AF00] =	vst v0;
	v0 =	vld [tilespmem:s6+$0x18720]  }
0x1c5: {  	v1 =	vld.idx.msk [tilespmem:v1+s2+$0x0], $0xffff;
	_ =	sdelay $0x5  }
0x1c6: {  	[tilespmem:s6+$0x1AF10] =	vst v1;
	v1 =	vld [tilespmem:s6+$0x18730]  }
0x1c7: {  	v0 =	vld.idx.msk [tilespmem:v0+s2+$0x0], $0xffff;
	_ =	sdelay $0x5  }
0x1c8: {  	[tilespmem:s6+$0x1AF20] =	vst v0;
	v0 =	vld [tilespmem:s6+$0x18740]  }
0x1c9: {  	v1 =	vld.idx.msk [tilespmem:v1+s2+$0x0], $0xffff;
	_ =	sdelay $0x5  }
0x1ca: {  	[tilespmem:s6+$0x1AF30] =	vst v1;
	v1 =	vld [tilespmem:s6+$0x18750]  }
0x1cb: {  	v0 =	vld.idx.msk [tilespmem:v0+s2+$0x0], $0xffff;
	_ =	sdelay $0x5  }
0x1cc: {  	[tilespmem:s6+$0x1AF40] =	vst v0;
	v2 =	vld [tilespmem:s6+$0x18760]  }
0x1cd: {  	v0 =	vld.idx.msk [tilespmem:v1+s2+$0x0], $0xffff;
	_ =	sdelay $0x5  }
0x1ce: {  	[tilespmem:s6+$0x1AF50] =	vst v0;
	v0 =	vld [tilespmem:s6+$0x18770]  }
0x1cf: {  	v1 =	vld.idx.msk [tilespmem:v2+s2+$0x0], $0xffff  }
.Ltmp6:
0x1d0: {  	(pc) =	sbr.rel @p0 .LBB2_14-.Ltmp6, $2  }
0x1d1: {  	_ =	sdelay $0x2  }
0x1d2: {  	s8 =	sshra.s32 s7, $0x2;
	s7 =	sadd.s32 $0x200, s7  }
0x1d3: {  	_ =	sdelay $0x1  }
0x1d4: {  	v2 =	vld [tilespmem:s8+$0x18700]  }
0x1d5: {  	[tilespmem:s6+$0x1AF60] =	vst v1  }
0x1d6: {  	v0 =	vld.idx.msk [tilespmem:v0+s2+$0x0], $0xffff;
	_ =	sdelay $0x3  }
0x1d7: {  	v1 =	vld [tilespmem:s8+$0x18710]  }
0x1d8: {  	[tilespmem:s6+$0x1AF70] =	vst v0  }
0x1d9: {  	v0 =	vld.idx.msk [tilespmem:v2+s2+$0x0], $0xffff;
	_ =	sdelay $0x4  }
0x1da: {  	[tilespmem:s8+$0x1AF00] =	vst v0;
	v0 =	vld [tilespmem:s8+$0x18720]  }
0x1db: {  	v1 =	vld.idx.msk [tilespmem:v1+s2+$0x0], $0xffff;
	_ =	sdelay $0x4  }
0x1dc: {  	[tilespmem:s8+$0x1AF10] =	vst v1;
	v1 =	vld [tilespmem:s8+$0x18730];
	_ =	sdelay $0x1  }
0x1dd: {  	v0 =	vld.idx.msk [tilespmem:v0+s2+$0x0], $0xffff;
	_ =	sdelay $0x4  }
0x1de: {  	[tilespmem:s8+$0x1AF20] =	vst v0;
	v0 =	vld [tilespmem:s8+$0x18740]  }
0x1df: {  	v1 =	vld.idx.msk [tilespmem:v1+s2+$0x0], $0xffff;
	_ =	sdelay $0x4  }
0x1e0: {  	[tilespmem:s8+$0x1AF30] =	vst v1;
	v1 =	vld [tilespmem:s8+$0x18750];
	_ =	sdelay $0x1  }
0x1e1: {  	v0 =	vld.idx.msk [tilespmem:v0+s2+$0x0], $0xffff;
	_ =	sdelay $0x4  }
0x1e2: {  	[tilespmem:s8+$0x1AF40] =	vst v0;
	v0 =	vld [tilespmem:s8+$0x18760]  }
0x1e3: {  	v1 =	vld.idx.msk [tilespmem:v1+s2+$0x0], $0xffff;
	_ =	sdelay $0x4  }
0x1e4: {  	[tilespmem:s8+$0x1AF50] =	vst v1;
	v1 =	vld [tilespmem:s8+$0x18770];
	_ =	sdelay $0x1  }
0x1e5: {  	v0 =	vld.idx.msk [tilespmem:v0+s2+$0x0], $0xffff;
	_ =	sdelay $0x4  }
0x1e6: {  	[tilespmem:s8+$0x1AF60] =	vst v0  }
0x1e7: {  	v0 =	vld.idx.msk [tilespmem:v1+s2+$0x0], $0xffff;
	_ =	sdelay $0x4  }
0x1e8: {  	[tilespmem:s8+$0x1AF70] =	vst v0  }
0x1e9: {  	[hbm4b:s18+s25] =	stream.strided.scatter [tilespmem:s1], [sflag:$0x2], $0x1400, s29, s25, $0x38;
	[tilespmem:$0x1D700] =	vst v63  }
0x1ea: {  	_ = 	snop  }
0x1eb: {  	[tilespmem:s28], [sflag:$0x1] =	stream.strided.gather [hbm4b:s19+s25], $0x1400, s26, s25, $0x38;
	[tilespmem:$0x1D700] =	vst v63  }
0x1ec: {  	_ =	swait.ge [sflag:s0], $0x1400  }
0x1ed: {  	[sflag:s0] =	ssyncset.done $0x0  }
0x1ee: {  	[sflag:s0] =	ssyncadd.s32 $0xFFFFEC00  }
0x1ef: {  	_ =	swait.ge [sflag:s4], $0x1400  }
0x1f0: {  	[sflag:s4] =	ssyncset.done $0x0  }
0x1f1: {  	s6 =	simm.s32 $0x0;
	[sflag:s4] =	ssyncadd.s32 $0xFFFFEC00  }
0x1f2: {  	v0 =	vld [tilespmem:s6+$0x19B00];
	_ =	sdelay $0x5  }
0x1f3: {  	v1 =	vld [tilespmem:s6+$0x19B10];
	_ =	sdelay $0x1  }
0x1f4: {  	v0 =	vld.idx.msk [tilespmem:v0+s2+$0x0], $0xffff;
	_ =	sdelay $0x4  }
0x1f5: {  	[tilespmem:s6+$0x1C300] =	vst v0;
	v0 =	vld [tilespmem:s6+$0x19B20]  }
0x1f6: {  	v1 =	vld.idx.msk [tilespmem:v1+s2+$0x0], $0xffff;
	_ =	sdelay $0x4  }
0x1f7: {  	[tilespmem:s6+$0x1C310] =	vst v1;
	v1 =	vld [tilespmem:s6+$0x19B30];
	_ =	sdelay $0x1  }
0x1f8: {  	v0 =	vld.idx.msk [tilespmem:v0+s2+$0x0], $0xffff;
	_ =	sdelay $0x4  }
0x1f9: {  	[tilespmem:s6+$0x1C320] =	vst v0;
	v0 =	vld [tilespmem:s6+$0x19B40]  }
0x1fa: {  	v1 =	vld.idx.msk [tilespmem:v1+s2+$0x0], $0xffff;
	_ =	sdelay $0x4  }
0x1fb: {  	[tilespmem:s6+$0x1C330] =	vst v1;
	v1 =	vld [tilespmem:s6+$0x19B50];
	_ =	sdelay $0x1  }
0x1fc: {  	v0 =	vld.idx.msk [tilespmem:v0+s2+$0x0], $0xffff;
	_ =	sdelay $0x4  }
0x1fd: {  	v2 =	vld [tilespmem:s6+$0x19B60];
	[tilespmem:s6+$0x1C340] =	vst v0  }
0x1fe: {  	v0 =	vld.idx.msk [tilespmem:v1+s2+$0x0], $0xffff;
	_ =	sdelay $0x4  }
0x1ff: {  	[tilespmem:s6+$0x1C350] =	vst v0;
	v0 =	vld [tilespmem:s6+$0x19B70];
	_ =	sdelay $0x1  }
0x200: {  	v1 =	vld.idx.msk [tilespmem:v2+s2+$0x0], $0xffff;
	_ =	sdelay $0x3  }
0x201: {  	s7 =	simm.s32 $0x400;
	s8 =	simm.s32 $0x80  }
.LBB2_16:
0x202: {  	p0 =	sne.s32 s7, $0x4E00;
	v2 =	vld [tilespmem:s8+$0x19B00];
	[tilespmem:s6+$0x1C360] =	vst v1  }
0x203: {  	v0 =	vld.idx.msk [tilespmem:v0+s2+$0x0], $0xffff;
	_ =	sdelay $0x5  }
0x204: {  	v1 =	vld [tilespmem:s8+$0x19B10];
	[tilespmem:s6+$0x1C370] =	vst v0;
	s6 =	smov.u32 s8  }
0x205: {  	v0 =	vld.idx.msk [tilespmem:v2+s2+$0x0], $0xffff;
	_ =	sdelay $0x5  }
0x206: {  	[tilespmem:s6+$0x1C300] =	vst v0;
	v0 =	vld [tilespmem:s6+$0x19B20]  }
0x207: {  	v1 =	vld.idx.msk [tilespmem:v1+s2+$0x0], $0xffff;
	_ =	sdelay $0x5  }
0x208: {  	[tilespmem:s6+$0x1C310] =	vst v1;
	v1 =	vld [tilespmem:s6+$0x19B30]  }
0x209: {  	v0 =	vld.idx.msk [tilespmem:v0+s2+$0x0], $0xffff;
	_ =	sdelay $0x5  }
0x20a: {  	[tilespmem:s6+$0x1C320] =	vst v0;
	v0 =	vld [tilespmem:s6+$0x19B40]  }
0x20b: {  	v1 =	vld.idx.msk [tilespmem:v1+s2+$0x0], $0xffff;
	_ =	sdelay $0x5  }
0x20c: {  	[tilespmem:s6+$0x1C330] =	vst v1;
	v1 =	vld [tilespmem:s6+$0x19B50]  }
0x20d: {  	v0 =	vld.idx.msk [tilespmem:v0+s2+$0x0], $0xffff;
	_ =	sdelay $0x5  }
0x20e: {  	[tilespmem:s6+$0x1C340] =	vst v0;
	v2 =	vld [tilespmem:s6+$0x19B60]  }
0x20f: {  	v0 =	vld.idx.msk [tilespmem:v1+s2+$0x0], $0xffff;
	_ =	sdelay $0x5  }
0x210: {  	[tilespmem:s6+$0x1C350] =	vst v0;
	v0 =	vld [tilespmem:s6+$0x19B70]  }
0x211: {  	v1 =	vld.idx.msk [tilespmem:v2+s2+$0x0], $0xffff  }
.Ltmp7:
0x212: {  	(pc) =	sbr.rel @p0 .LBB2_16-.Ltmp7, $2  }
0x213: {  	_ =	sdelay $0x2  }
0x214: {  	s8 =	sshra.s32 s7, $0x2;
	s7 =	sadd.s32 $0x200, s7  }
0x215: {  	_ =	sdelay $0x1  }
0x216: {  	v2 =	vld [tilespmem:s8+$0x19B00]  }
0x217: {  	[tilespmem:s6+$0x1C360] =	vst v1  }
0x218: {  	v0 =	vld.idx.msk [tilespmem:v0+s2+$0x0], $0xffff;
	_ =	sdelay $0x3  }
0x219: {  	v1 =	vld [tilespmem:s8+$0x19B10]  }
0x21a: {  	[tilespmem:s6+$0x1C370] =	vst v0  }
0x21b: {  	v0 =	vld.idx.msk [tilespmem:v2+s2+$0x0], $0xffff;
	_ =	sdelay $0x4  }
0x21c: {  	[tilespmem:s8+$0x1C300] =	vst v0;
	v0 =	vld [tilespmem:s8+$0x19B20]  }
0x21d: {  	v1 =	vld.idx.msk [tilespmem:v1+s2+$0x0], $0xffff;
	_ =	sdelay $0x4  }
0x21e: {  	[tilespmem:s8+$0x1C310] =	vst v1;
	v1 =	vld [tilespmem:s8+$0x19B30];
	_ =	sdelay $0x1  }
0x21f: {  	v0 =	vld.idx.msk [tilespmem:v0+s2+$0x0], $0xffff;
	_ =	sdelay $0x4  }
0x220: {  	[tilespmem:s8+$0x1C320] =	vst v0;
	v0 =	vld [tilespmem:s8+$0x19B40]  }
0x221: {  	v1 =	vld.idx.msk [tilespmem:v1+s2+$0x0], $0xffff;
	_ =	sdelay $0x4  }
0x222: {  	[tilespmem:s8+$0x1C330] =	vst v1;
	v1 =	vld [tilespmem:s8+$0x19B50];
	_ =	sdelay $0x1  }
0x223: {  	v0 =	vld.idx.msk [tilespmem:v0+s2+$0x0], $0xffff;
	_ =	sdelay $0x4  }
0x224: {  	[tilespmem:s8+$0x1C340] =	vst v0;
	v0 =	vld [tilespmem:s8+$0x19B60]  }
0x225: {  	v1 =	vld.idx.msk [tilespmem:v1+s2+$0x0], $0xffff;
	_ =	sdelay $0x4  }
0x226: {  	[tilespmem:s8+$0x1C350] =	vst v1;
	v1 =	vld [tilespmem:s8+$0x19B70];
	_ =	sdelay $0x1  }
0x227: {  	v0 =	vld.idx.msk [tilespmem:v0+s2+$0x0], $0xffff;
	_ =	sdelay $0x4  }
0x228: {  	[tilespmem:s8+$0x1C360] =	vst v0  }
0x229: {  	v0 =	vld.idx.msk [tilespmem:v1+s2+$0x0], $0xffff;
	_ =	sdelay $0x4  }
0x22a: {  	[tilespmem:s8+$0x1C370] =	vst v0  }
0x22b: {  	[hbm4b:s20+s25] =	stream.strided.scatter [tilespmem:s3], [sflag:$0x2], $0x1400, s29, s25, $0x38;
	[tilespmem:$0x1D700] =	vst v63  }
0x22c: {  	_ = 	snop  }
0x22d: {  	[tilespmem:s31], [sflag:$0x1] =	stream.strided.gather [hbm4b:s21+s25], $0x1400, s26, s25, $0x38;
	[tilespmem:$0x1D700] =	vst v63  }
0x22e: {  	_ =	swait.ge [sflag:s0], $0x1400  }
0x22f: {  	[sflag:s0] =	ssyncset.done $0x0  }
0x230: {  	[sflag:s0] =	ssyncadd.s32 $0xFFFFEC00  }
0x231: {  	_ =	swait.ge [sflag:s4], $0x1400  }
0x232: {  	[sflag:s4] =	ssyncset.done $0x0  }
0x233: {  	s6 =	simm.s32 $0x0;
	[sflag:s4] =	ssyncadd.s32 $0xFFFFEC00  }
0x234: {  	v0 =	vld [tilespmem:s6+$0x18700];
	_ =	sdelay $0x5  }
0x235: {  	v1 =	vld [tilespmem:s6+$0x18710];
	_ =	sdelay $0x1  }
0x236: {  	v0 =	vld.idx.msk [tilespmem:v0+s2+$0x0], $0xffff;
	_ =	sdelay $0x4  }
0x237: {  	[tilespmem:s6+$0x1AF00] =	vst v0;
	v0 =	vld [tilespmem:s6+$0x18720]  }
0x238: {  	v1 =	vld.idx.msk [tilespmem:v1+s2+$0x0], $0xffff;
	_ =	sdelay $0x4  }
0x239: {  	[tilespmem:s6+$0x1AF10] =	vst v1;
	v1 =	vld [tilespmem:s6+$0x18730];
	_ =	sdelay $0x1  }
0x23a: {  	v0 =	vld.idx.msk [tilespmem:v0+s2+$0x0], $0xffff;
	_ =	sdelay $0x4  }
0x23b: {  	[tilespmem:s6+$0x1AF20] =	vst v0;
	v0 =	vld [tilespmem:s6+$0x18740]  }
0x23c: {  	v1 =	vld.idx.msk [tilespmem:v1+s2+$0x0], $0xffff;
	_ =	sdelay $0x4  }
0x23d: {  	[tilespmem:s6+$0x1AF30] =	vst v1;
	v1 =	vld [tilespmem:s6+$0x18750];
	_ =	sdelay $0x1  }
0x23e: {  	v0 =	vld.idx.msk [tilespmem:v0+s2+$0x0], $0xffff;
	_ =	sdelay $0x4  }
0x23f: {  	v2 =	vld [tilespmem:s6+$0x18760];
	[tilespmem:s6+$0x1AF40] =	vst v0  }
0x240: {  	v0 =	vld.idx.msk [tilespmem:v1+s2+$0x0], $0xffff;
	_ =	sdelay $0x4  }
0x241: {  	[tilespmem:s6+$0x1AF50] =	vst v0;
	v0 =	vld [tilespmem:s6+$0x18770];
	_ =	sdelay $0x1  }
0x242: {  	v1 =	vld.idx.msk [tilespmem:v2+s2+$0x0], $0xffff;
	_ =	sdelay $0x3  }
0x243: {  	s7 =	simm.s32 $0x400;
	s8 =	simm.s32 $0x80  }
.LBB2_18:
0x244: {  	p0 =	sne.s32 s7, $0x4E00;
	v2 =	vld [tilespmem:s8+$0x18700];
	[tilespmem:s6+$0x1AF60] =	vst v1  }
0x245: {  	v0 =	vld.idx.msk [tilespmem:v0+s2+$0x0], $0xffff;
	_ =	sdelay $0x5  }
0x246: {  	v1 =	vld [tilespmem:s8+$0x18710];
	[tilespmem:s6+$0x1AF70] =	vst v0;
	s6 =	smov.u32 s8  }
0x247: {  	v0 =	vld.idx.msk [tilespmem:v2+s2+$0x0], $0xffff;
	_ =	sdelay $0x5  }
0x248: {  	[tilespmem:s6+$0x1AF00] =	vst v0;
	v0 =	vld [tilespmem:s6+$0x18720]  }
0x249: {  	v1 =	vld.idx.msk [tilespmem:v1+s2+$0x0], $0xffff;
	_ =	sdelay $0x5  }
0x24a: {  	[tilespmem:s6+$0x1AF10] =	vst v1;
	v1 =	vld [tilespmem:s6+$0x18730]  }
0x24b: {  	v0 =	vld.idx.msk [tilespmem:v0+s2+$0x0], $0xffff;
	_ =	sdelay $0x5  }
0x24c: {  	[tilespmem:s6+$0x1AF20] =	vst v0;
	v0 =	vld [tilespmem:s6+$0x18740]  }
0x24d: {  	v1 =	vld.idx.msk [tilespmem:v1+s2+$0x0], $0xffff;
	_ =	sdelay $0x5  }
0x24e: {  	[tilespmem:s6+$0x1AF30] =	vst v1;
	v1 =	vld [tilespmem:s6+$0x18750]  }
0x24f: {  	v0 =	vld.idx.msk [tilespmem:v0+s2+$0x0], $0xffff;
	_ =	sdelay $0x5  }
0x250: {  	[tilespmem:s6+$0x1AF40] =	vst v0;
	v2 =	vld [tilespmem:s6+$0x18760]  }
0x251: {  	v0 =	vld.idx.msk [tilespmem:v1+s2+$0x0], $0xffff;
	_ =	sdelay $0x5  }
0x252: {  	[tilespmem:s6+$0x1AF50] =	vst v0;
	v0 =	vld [tilespmem:s6+$0x18770]  }
0x253: {  	v1 =	vld.idx.msk [tilespmem:v2+s2+$0x0], $0xffff  }
.Ltmp8:
0x254: {  	(pc) =	sbr.rel @p0 .LBB2_18-.Ltmp8, $2  }
0x255: {  	_ =	sdelay $0x2  }
0x256: {  	s8 =	sshra.s32 s7, $0x2;
	s7 =	sadd.s32 $0x200, s7  }
0x257: {  	_ =	sdelay $0x1  }
0x258: {  	v2 =	vld [tilespmem:s8+$0x18700]  }
0x259: {  	[tilespmem:s6+$0x1AF60] =	vst v1  }
0x25a: {  	v0 =	vld.idx.msk [tilespmem:v0+s2+$0x0], $0xffff;
	_ =	sdelay $0x3  }
0x25b: {  	v1 =	vld [tilespmem:s8+$0x18710]  }
0x25c: {  	[tilespmem:s6+$0x1AF70] =	vst v0  }
0x25d: {  	v0 =	vld.idx.msk [tilespmem:v2+s2+$0x0], $0xffff;
	_ =	sdelay $0x4  }
0x25e: {  	[tilespmem:s8+$0x1AF00] =	vst v0;
	v0 =	vld [tilespmem:s8+$0x18720]  }
0x25f: {  	v1 =	vld.idx.msk [tilespmem:v1+s2+$0x0], $0xffff;
	_ =	sdelay $0x4  }
0x260: {  	[tilespmem:s8+$0x1AF10] =	vst v1;
	v1 =	vld [tilespmem:s8+$0x18730];
	_ =	sdelay $0x1  }
0x261: {  	v0 =	vld.idx.msk [tilespmem:v0+s2+$0x0], $0xffff;
	_ =	sdelay $0x4  }
0x262: {  	[tilespmem:s8+$0x1AF20] =	vst v0;
	v0 =	vld [tilespmem:s8+$0x18740]  }
0x263: {  	v1 =	vld.idx.msk [tilespmem:v1+s2+$0x0], $0xffff;
	_ =	sdelay $0x4  }
0x264: {  	[tilespmem:s8+$0x1AF30] =	vst v1;
	v1 =	vld [tilespmem:s8+$0x18750];
	_ =	sdelay $0x1  }
0x265: {  	v0 =	vld.idx.msk [tilespmem:v0+s2+$0x0], $0xffff;
	_ =	sdelay $0x4  }
0x266: {  	[tilespmem:s8+$0x1AF40] =	vst v0;
	v0 =	vld [tilespmem:s8+$0x18760]  }
0x267: {  	v1 =	vld.idx.msk [tilespmem:v1+s2+$0x0], $0xffff;
	_ =	sdelay $0x4  }
0x268: {  	[tilespmem:s8+$0x1AF50] =	vst v1;
	v1 =	vld [tilespmem:s8+$0x18770];
	_ =	sdelay $0x1  }
0x269: {  	v0 =	vld.idx.msk [tilespmem:v0+s2+$0x0], $0xffff;
	_ =	sdelay $0x4  }
0x26a: {  	[tilespmem:s8+$0x1AF60] =	vst v0  }
0x26b: {  	v0 =	vld.idx.msk [tilespmem:v1+s2+$0x0], $0xffff;
	_ =	sdelay $0x4  }
0x26c: {  	[tilespmem:s8+$0x1AF70] =	vst v0  }
0x26d: {  	[hbm4b:s22+s25] =	stream.strided.scatter [tilespmem:s1], [sflag:$0x2], $0x1400, s29, s25, $0x38;
	[tilespmem:$0x1D700] =	vst v63  }
0x26e: {  	_ =	swait.ge [sflag:s0], $0x1400  }
0x26f: {  	[sflag:s0] =	ssyncset.done $0x0  }
0x270: {  	[sflag:s0] =	ssyncadd.s32 $0xFFFFEC00  }
0x271: {  	_ =	swait.ge [sflag:s4], $0x1400  }
0x272: {  	[sflag:s4] =	ssyncset.done $0x0  }
0x273: {  	s6 =	simm.s32 $0x0;
	[sflag:s4] =	ssyncadd.s32 $0xFFFFEC00  }
0x274: {  	v0 =	vld [tilespmem:s6+$0x19B00];
	_ =	sdelay $0x5  }
0x275: {  	v1 =	vld [tilespmem:s6+$0x19B10];
	_ =	sdelay $0x1  }
0x276: {  	v0 =	vld.idx.msk [tilespmem:v0+s2+$0x0], $0xffff;
	_ =	sdelay $0x4  }
0x277: {  	[tilespmem:s6+$0x1C300] =	vst v0;
	v0 =	vld [tilespmem:s6+$0x19B20]  }
0x278: {  	v1 =	vld.idx.msk [tilespmem:v1+s2+$0x0], $0xffff;
	_ =	sdelay $0x4  }
0x279: {  	[tilespmem:s6+$0x1C310] =	vst v1;
	v1 =	vld [tilespmem:s6+$0x19B30];
	_ =	sdelay $0x1  }
0x27a: {  	v0 =	vld.idx.msk [tilespmem:v0+s2+$0x0], $0xffff;
	_ =	sdelay $0x4  }
0x27b: {  	[tilespmem:s6+$0x1C320] =	vst v0;
	v0 =	vld [tilespmem:s6+$0x19B40]  }
0x27c: {  	v1 =	vld.idx.msk [tilespmem:v1+s2+$0x0], $0xffff;
	_ =	sdelay $0x4  }
0x27d: {  	[tilespmem:s6+$0x1C330] =	vst v1;
	v1 =	vld [tilespmem:s6+$0x19B50];
	_ =	sdelay $0x1  }
0x27e: {  	v0 =	vld.idx.msk [tilespmem:v0+s2+$0x0], $0xffff;
	_ =	sdelay $0x4  }
0x27f: {  	v2 =	vld [tilespmem:s6+$0x19B60];
	[tilespmem:s6+$0x1C340] =	vst v0  }
0x280: {  	v0 =	vld.idx.msk [tilespmem:v1+s2+$0x0], $0xffff;
	_ =	sdelay $0x4  }
0x281: {  	[tilespmem:s6+$0x1C350] =	vst v0;
	v0 =	vld [tilespmem:s6+$0x19B70];
	_ =	sdelay $0x1  }
0x282: {  	v1 =	vld.idx.msk [tilespmem:v2+s2+$0x0], $0xffff;
	_ =	sdelay $0x3  }
0x283: {  	s7 =	simm.s32 $0x400;
	s8 =	simm.s32 $0x80  }
.LBB2_20:
0x284: {  	p0 =	sne.s32 s7, $0x4E00;
	v2 =	vld [tilespmem:s8+$0x19B00];
	[tilespmem:s6+$0x1C360] =	vst v1  }
0x285: {  	v0 =	vld.idx.msk [tilespmem:v0+s2+$0x0], $0xffff;
	_ =	sdelay $0x5  }
0x286: {  	v1 =	vld [tilespmem:s8+$0x19B10];
	[tilespmem:s6+$0x1C370] =	vst v0;
	s6 =	smov.u32 s8  }
0x287: {  	v0 =	vld.idx.msk [tilespmem:v2+s2+$0x0], $0xffff;
	_ =	sdelay $0x5  }
0x288: {  	[tilespmem:s6+$0x1C300] =	vst v0;
	v0 =	vld [tilespmem:s6+$0x19B20]  }
0x289: {  	v1 =	vld.idx.msk [tilespmem:v1+s2+$0x0], $0xffff;
	_ =	sdelay $0x5  }
0x28a: {  	[tilespmem:s6+$0x1C310] =	vst v1;
	v1 =	vld [tilespmem:s6+$0x19B30]  }
0x28b: {  	v0 =	vld.idx.msk [tilespmem:v0+s2+$0x0], $0xffff;
	_ =	sdelay $0x5  }
0x28c: {  	[tilespmem:s6+$0x1C320] =	vst v0;
	v0 =	vld [tilespmem:s6+$0x19B40]  }
0x28d: {  	v1 =	vld.idx.msk [tilespmem:v1+s2+$0x0], $0xffff;
	_ =	sdelay $0x5  }
0x28e: {  	[tilespmem:s6+$0x1C330] =	vst v1;
	v1 =	vld [tilespmem:s6+$0x19B50]  }
0x28f: {  	v0 =	vld.idx.msk [tilespmem:v0+s2+$0x0], $0xffff;
	_ =	sdelay $0x5  }
0x290: {  	[tilespmem:s6+$0x1C340] =	vst v0;
	v2 =	vld [tilespmem:s6+$0x19B60]  }
0x291: {  	v0 =	vld.idx.msk [tilespmem:v1+s2+$0x0], $0xffff;
	_ =	sdelay $0x5  }
0x292: {  	[tilespmem:s6+$0x1C350] =	vst v0;
	v0 =	vld [tilespmem:s6+$0x19B70]  }
0x293: {  	v1 =	vld.idx.msk [tilespmem:v2+s2+$0x0], $0xffff  }
.Ltmp9:
0x294: {  	(pc) =	sbr.rel @p0 .LBB2_20-.Ltmp9, $2  }
0x295: {  	_ =	sdelay $0x2  }
0x296: {  	s8 =	sshra.s32 s7, $0x2;
	s7 =	sadd.s32 $0x200, s7  }
0x297: {  	_ =	sdelay $0x1  }
0x298: {  	v2 =	vld [tilespmem:s8+$0x19B00]  }
0x299: {  	[tilespmem:s6+$0x1C360] =	vst v1  }
0x29a: {  	v0 =	vld.idx.msk [tilespmem:v0+s2+$0x0], $0xffff;
	_ =	sdelay $0x3  }
0x29b: {  	v1 =	vld [tilespmem:s8+$0x19B10]  }
0x29c: {  	[tilespmem:s6+$0x1C370] =	vst v0  }
0x29d: {  	v0 =	vld.idx.msk [tilespmem:v2+s2+$0x0], $0xffff;
	_ =	sdelay $0x3  }
0x29e: {  	v58 =	vld [tilespmem:s8+$0x19B20]  }
0x29f: {  	[tilespmem:s8+$0x1C300] =	vst v0  }
0x2a0: {  	v1 =	vld.idx.msk [tilespmem:v1+s2+$0x0], $0xffff;
	_ =	sdelay $0x3  }
0x2a1: {  	v59 =	vld [tilespmem:s8+$0x19B30]  }
0x2a2: {  	[tilespmem:s8+$0x1C310] =	vst v1  }
0x2a3: {  	v0 =	vld.idx.msk [tilespmem:v58+s2+$0x0], $0xffff;
	_ =	sdelay $0x3  }
0x2a4: {  	v60 =	vld [tilespmem:s8+$0x19B40]  }
0x2a5: {  	[tilespmem:s8+$0x1C320] =	vst v0  }
0x2a6: {  	v1 =	vld.idx.msk [tilespmem:v59+s2+$0x0], $0xffff;
	_ =	sdelay $0x3  }
0x2a7: {  	v61 =	vld [tilespmem:s8+$0x19B50]  }
0x2a8: {  	[tilespmem:s8+$0x1C330] =	vst v1  }
0x2a9: {  	v0 =	vld.idx.msk [tilespmem:v60+s2+$0x0], $0xffff;
	_ =	sdelay $0x3  }
0x2aa: {  	v62 =	vld [tilespmem:s8+$0x19B60]  }
0x2ab: {  	[tilespmem:s8+$0x1C340] =	vst v0  }
0x2ac: {  	v1 =	vld.idx.msk [tilespmem:v61+s2+$0x0], $0xffff;
	_ =	sdelay $0x3  }
0x2ad: {  	v63 =	vld [tilespmem:s8+$0x19B70]  }
0x2ae: {  	[tilespmem:s8+$0x1C350] =	vst v1  }
0x2af: {  	v0 =	vld.idx.msk [tilespmem:v62+s2+$0x0], $0xffff;
	_ =	sdelay $0x4  }
0x2b0: {  	[tilespmem:s8+$0x1C360] =	vst v0  }
0x2b1: {  	v0 =	vld.idx.msk [tilespmem:v63+s2+$0x0], $0xffff;
	_ =	sdelay $0x4  }
0x2b2: {  	s5 =	sadd.s32 $0x1, s5;
	[tilespmem:s8+$0x1C370] =	vst v0  }
0x2b3: {  	[hbm4b:s23+s25] =	stream.strided.scatter [tilespmem:s3], [sflag:$0x2], $0x1400, s29, s25, $0x38;
	[tilespmem:$0x1D700] =	vst v63  }
0x2b4: {  	p0 =	sne.s32 s5, s24;
	_ =	swait.ge [sflag:s4], $0x1400  }
.Ltmp10:
0x2b5: {  	[sflag:s4] =	ssyncset.done $0x0;
	(pc) =	sbr.rel @p0 .LBB2_1-.Ltmp10, $4  }
0x2b6: {  	[sflag:s4] =	ssyncadd.s32 $0xFFFFEC00  }
0x2b7: {  	_ =	swait.ge [sflag:s4], $0x1400  }
0x2b8: {  	[sflag:s4] =	ssyncset.done $0x0  }
0x2b9: {  	[sflag:s4] =	ssyncadd.s32 $0xFFFFEC00  }
0x2ba: {  	_ =	sfence.sel $0x180000  }
0x2bb: {  	[bflag:$0x0] =	sbarrier.arrive $0xFFFF  }
0x2bc: {  	_ =	strace $0x90000047  }
0x2bd: {  	s0 =	stileid.u32;
	[bflag:$0x2] =	sbarrier.arrive $0xFFFF  }
0x2be: {  	p0 =	sne.s32 s0, $0x0;
	s0 =	rddreg [dreg:$0x3]  }
0x2bf: {  	s0 =	sadd.s32 @!p0 $0x100000, s0  }
0x2c0: {  	[sflag:s0] =	ssyncadd.tile.s32 @!p0 $0x1;
	_ =	shalt  }
.Lfunc_end2:
_tile_overlayer_lowered:
.L_overlay_start_2:
0x2c1: {  	(tag) =	ssettag $0x2  }
0x2c2: {  	s0 =	rddreg [dreg:$0x0];
	s2 =	stileid.u32  }
0x2c3: {  	s1 =	rddreg [dreg:$0x1];
	p0 =	sne.s32 s2, $0x0  }
0x2c4: {  	s3 =	rddreg [dreg:$0x2];
	[bflag:$0x3] =	sbarrier.arrive $0xFFFF;
	s2 =	simm.s32 @!p0 $0x1C03  }
0x2c5: {  	[timem:s3], [sflag:s2] =	dma.local @!p0 [hbm:s0], s1  }
0x2c6: {  	s0 =	simm.s32 @!p0 $0x3  }
0x2c7: {  	_ =	swait.ge @!p0 [sflag:s0], s1  }
0x2c8: {  	s1 =	ssub.s32 @!p0 $0x0, s1;
	[sflag:s0] =	ssyncset.done @!p0 $0x0  }
0x2c9: {  	[sflag:s0] =	ssyncadd.s32 @!p0 s1  }
0x2ca: {  	[bflag:$0x3] =	sbarrier.arrive $0xFFFF  }
0x2cb: {  	_ =	shalt  }

</sc_bundles>
